<compile_context>
chip_gen: v7x
topology: tpu7x:2x2x1
jax: 0.10.2.dev20260603
libtpu: 0.0.44.dev20260713+nightly
codegen_flags: <defaults>
</compile_context>

<pallas_src>
import jax
import jax.numpy as jnp
from jax import lax
from jax.experimental import pallas as pl
from jax.experimental.pallas import tpu as pltpu
from jax.experimental.pallas import tpu_sc as plsc

VOCAB = 100000
DIM = 128
TOTAL_TOKENS = 32768
BATCH = 16

NUM_WORKERS = 32
TOK_PER_W = TOTAL_TOKENS // NUM_WORKERS
CHUNK = 64
NCHUNK = TOK_PER_W // CHUNK
NBUF = 8
LANES = 16
NVEC = DIM // LANES


def _sc_kernel(table_hbm, idx_hbm, seg_hbm, out_hbm, idx_v, seg_v, rows_v,
               acc_v, iota_v, acc_sh, sems):
  core = jax.lax.axis_index("c")
  sub = jax.lax.axis_index("s")
  wid = sub * 2 + core

  pltpu.sync_copy(idx_hbm.at[pl.ds(wid * (NCHUNK // 2), NCHUNK // 2)], idx_v)

  def idx_ref(c):
    return idx_v.at[c // 2, pl.ds((c % 2) * CHUNK, CHUNK)]

  @pl.loop(0, NBUF - 1)
  def _(b):
    pltpu.async_copy(table_hbm.at[idx_ref(b)], rows_v.at[b], sems.at[b])

  pltpu.sync_copy(seg_hbm.at[pl.ds(wid * NCHUNK, NCHUNK)], seg_v)

  zero = jnp.zeros((LANES,), jnp.float32)
  iota_v[...] = lax.broadcasted_iota(jnp.int32, (LANES,), 0)

  @pl.loop(0, BATCH)
  def _(r):
    for v in range(NVEC):
      acc_v[r, pl.ds(v * LANES, LANES)] = zero

  @pl.when(sub == 0)
  def _():
    pltpu.sync_copy(acc_v, acc_sh)

  plsc.subcore_barrier()

  def chunk_body(c, buf):
    nxt = c + NBUF - 1
    nbuf = nxt % NBUF
    @pl.when(nxt < NCHUNK)
    def _():
      pltpu.async_copy(table_hbm.at[idx_ref(nxt)], rows_v.at[nbuf],
                       sems.at[nbuf])
    pltpu.make_async_copy(table_hbm.at[idx_ref(c)], rows_v.at[buf],
                          sems.at[buf]).wait()

    first = seg_v[c, pl.ds(0, LANES)][0]
    last = seg_v[c, pl.ds(CHUNK - LANES, LANES)][LANES - 1]
    pure = first == last

    @pl.when(pure)
    def _():
      def body(j, carry):
        j2 = j * 2
        return tuple(
            carry[v] + (rows_v[buf, j2, pl.ds(v * LANES, LANES)] +
                        rows_v[buf, j2 + 1, pl.ds(v * LANES, LANES)])
            for v in range(NVEC))

      folded = lax.fori_loop(0, CHUNK // 2, body, (zero,) * NVEC)
      for v in range(NVEC):
        plsc.addupdate(acc_v.at[first, pl.ds(v * LANES, LANES)], folded[v])

    @pl.when(jnp.logical_not(pure))
    def _():
      pltpu.sync_copy(rows_v.at[buf], acc_sh.at[seg_v.at[c]], add=True)

  @pl.loop(0, NCHUNK)
  def _(c):
    chunk_body(c, c % NBUF)

  pltpu.sync_copy(acc_v, acc_sh.at[iota_v], add=True)
  plsc.subcore_barrier()

  @pl.when(sub == 0)
  def _():
    pltpu.sync_copy(acc_sh, out_hbm.at[core])


def kernel(table, flat_indices, segment_ids):
  idx2d = flat_indices.reshape(TOTAL_TOKENS // 128, 128)
  seg2d = segment_ids.reshape(NUM_WORKERS * NCHUNK, CHUNK)
  mesh = plsc.VectorSubcoreMesh(core_axis_name="c", subcore_axis_name="s")
  run = pl.kernel(
      _sc_kernel,
      out_type=jax.ShapeDtypeStruct((2, BATCH, DIM), jnp.float32),
      mesh=mesh,
      scratch_types=[
          pltpu.VMEM((NCHUNK // 2, 128), jnp.int32),
          pltpu.VMEM((NCHUNK, CHUNK), jnp.int32),
          pltpu.VMEM((NBUF, CHUNK, DIM), jnp.float32),
          pltpu.VMEM((BATCH, DIM), jnp.float32),
          pltpu.VMEM((LANES,), jnp.int32),
          pltpu.VMEM_SHARED((BATCH, DIM), jnp.float32),
          pltpu.SemaphoreType.DMA((NBUF,)),
      ],
  )
  partials = run(table, idx2d, seg2d)
  return partials.sum(axis=0)

# --- scband reference (transcript-rebuilt; emitter-appended) ---
"""Pipeline reference for scband-distributed-embedding-2516850835595 (READ-ONLY COPY).

The authoritative reference and input builder live on the scoring server;
editing this copy changes nothing except your own understanding.
"""

import jax, jax.numpy as jnp
import numpy as np

VOCAB = 100000
DIM = 128
TOTAL_TOKENS = 32768
BATCH = 16


def setup_inputs(seed: int = 0) -> dict:
    key = jax.random.key(seed)
    k1, k2, k3 = jax.random.split(key, 3)
    # ragged multi-hot indices, flattened (values of the RaggedTensor)
    flat_indices = jax.random.randint(k1, (TOTAL_TOKENS,), 0, VOCAB, dtype=jnp.int32)
    # row assignment of each flat index (equivalent to ragged row_lengths info)
    segment_ids = jnp.sort(jax.random.randint(k2, (TOTAL_TOKENS,), 0, BATCH, dtype=jnp.int32))
    # learned embedding table (the single local shard when hvd.size() == 1)
    table = jax.random.normal(k3, (VOCAB, DIM), dtype=jnp.float32) * 0.05
    return {"table": table, "flat_indices": flat_indices, "segment_ids": segment_ids}


def reference(table, flat_indices, segment_ids):
    # DistributedEmbedding on a single worker (hvd.size() == 1):
    # dp->mp all-to-all is the identity, so the forward is a ragged
    # embedding lookup followed by the per-bag 'sum' combiner
    # (tf.nn.embedding_lookup + ragged reduce_sum over the ragged dim).
    gathered = jnp.take(table, flat_indices, axis=0)          # [TOTAL_TOKENS, DIM]
    pooled = jax.ops.segment_sum(gathered, segment_ids, num_segments=BATCH)  # [BATCH, DIM]
    return pooled

if __name__ == "__main__":
    import jax
    _d = setup_inputs()
    print(jax.jit(kernel)(*tuple(_d.values())))

</pallas_src>

<mosaic_0001>
#map = affine_map<(d0, d1) -> (0, 0)>
#map1 = affine_map<(d0, d1) -> (0, 0, 0)>
module attributes {stable_mosaic.version = 14 : i64} {
  func.func @_sc_kernel(%arg0: i32, %arg1: i32, %arg2: memref<100000x128xf32, #tpu.memory_space<hbm>>, %arg3: memref<256x128xi32, #tpu.memory_space<hbm>>, %arg4: memref<512x64xi32, #tpu.memory_space<hbm>>, %arg5: memref<2x16x128xf32, #tpu.memory_space<hbm>>, %arg6: memref<8x128xi32, #tpu.memory_space<vmem>>, %arg7: memref<16x64xi32, #tpu.memory_space<vmem>>, %arg8: memref<8x64x128xf32, #tpu.memory_space<vmem>>, %arg9: memref<16x128xf32, #tpu.memory_space<vmem>>, %arg10: memref<16xi32, #tpu.memory_space<vmem>>, %arg11: memref<16x128xf32, #tpu.memory_space<vmem_shared>>, %arg12: memref<8x!tpu.dma_semaphore, #tpu.memory_space<semaphore_mem>>) attributes {dimension_semantics = [#tpu.dimension_semantics<core_parallel>, #tpu.dimension_semantics<subcore_parallel>], iteration_bounds = array<i64: 2, 16>, scalar_prefetch = 0 : i64, scratch_operands = 7 : i64, tpu.core_type = #tpu.core_type<sc_vector_subcore>, window_params = [{transform_indices = #map}, {transform_indices = #map}, {transform_indices = #map}, {transform_indices = #map1}]} {
    %mul3A = arith.constant 2 : i32
    %mul3A_0 = arith.muli %arg1, %mul3A : i32
    %add3A = arith.addi %mul3A_0, %arg0 : i32
    %mul3A_1 = arith.constant 8 : i32
    %mul3A_2 = arith.muli %add3A, %mul3A_1 : i32
    "tpu.region"() ({
      %run_scoped3A = tpu.sem_alloc : memref<!tpu.dma_semaphore, #tpu.memory_space<semaphore_mem>>
      %dma_start3A = arith.constant 0 : i32
      %dma_start3A_31 = tpu.memref_slice %arg3[%mul3A_2, %dma_start3A] : memref<256x128xi32, #tpu.memory_space<hbm>> -> memref<8x128xi32, #tpu.memory_space<hbm>>
      %dma_start3A_32 = arith.constant 0 : i32
      %dma_start3A_33 = tpu.memref_slice %arg3[%mul3A_2, %dma_start3A_32] : memref<256x128xi32, #tpu.memory_space<hbm>> -> memref<8x128xi32, #tpu.memory_space<hbm>>
      tpu.enqueue_dma source(%dma_start3A_33 : memref<8x128xi32, #tpu.memory_space<hbm>>) target(%arg6 : memref<8x128xi32, #tpu.memory_space<vmem>>) target_semaphore(%run_scoped3A : memref<!tpu.dma_semaphore, #tpu.memory_space<semaphore_mem>>)
      %dma_wait3A = arith.constant 0 : i32
      %dma_wait3A_34 = tpu.memref_slice %arg3[%mul3A_2, %dma_wait3A] : memref<256x128xi32, #tpu.memory_space<hbm>> -> memref<8x128xi32, #tpu.memory_space<hbm>>
      %dma_wait3A_35 = arith.constant 0 : i32
      %dma_wait3A_36 = tpu.memref_slice %arg3[%mul3A_2, %dma_wait3A_35] : memref<256x128xi32, #tpu.memory_space<hbm>> -> memref<8x128xi32, #tpu.memory_space<hbm>>
      tpu.wait_dma2 semaphore(%run_scoped3A : memref<!tpu.dma_semaphore, #tpu.memory_space<semaphore_mem>>) src(%dma_wait3A_36 : memref<8x128xi32, #tpu.memory_space<hbm>>) dst(%arg6 : memref<8x128xi32, #tpu.memory_space<vmem>>)
      tpu.yield
    }) : () -> ()
    %scan3A = arith.constant 0 : i32
    %scan3A_3 = arith.constant 7 : i32
    %scan3A_4 = arith.addi %scan3A, %scan3A_3 : i32
    %scan3A_5 = arith.constant 1 : i32
    scf.for %scan3A_31 = %scan3A to %scan3A_4 step %scan3A_5  : i32 {
      %mul3A_32 = arith.constant 1 : i32
      %mul3A_33 = arith.muli %scan3A_31, %mul3A_32 : i32
      %add3A_34 = arith.constant 0 : i32
      %add3A_35 = arith.addi %add3A_34, %mul3A_33 : i32
      %jit3A = arith.constant 2 : i32
      %div3A = arith.divsi %add3A_35, %jit3A : i32
      %sign3A = arith.constant 0 : i32
      %sign3A_36 = arith.cmpi sgt, %add3A_35, %sign3A : i32
      %sign3A_37 = arith.extui %sign3A_36 : i1 to i32
      %sign3A_38 = arith.constant 0 : i32
      %sign3A_39 = arith.cmpi slt, %add3A_35, %sign3A_38 : i32
      %sign3A_40 = arith.extui %sign3A_39 : i1 to i32
      %sign3A_41 = arith.subi %sign3A_37, %sign3A_40 : i32
      %sign3A_42 = arith.constant 0 : i32
      %sign3A_43 = arith.cmpi sgt, %jit3A, %sign3A_42 : i32
      %sign3A_44 = arith.extui %sign3A_43 : i1 to i32
      %sign3A_45 = arith.constant 0 : i32
      %sign3A_46 = arith.cmpi slt, %jit3A, %sign3A_45 : i32
      %sign3A_47 = arith.extui %sign3A_46 : i1 to i32
      %sign3A_48 = arith.subi %sign3A_44, %sign3A_47 : i32
      %ne3A = arith.cmpi ne, %sign3A_41, %sign3A_48 : i32
      %rem3A = arith.remsi %add3A_35, %jit3A : i32
      %ne3A_49 = arith.constant 0 : i32
      %ne3A_50 = arith.cmpi ne, %rem3A, %ne3A_49 : i32
      %and3A = arith.andi %ne3A, %ne3A_50 : i1
      %sub3A = arith.constant 1 : i32
      %sub3A_51 = arith.subi %div3A, %sub3A : i32
      %select_n3A = arith.select %and3A, %sub3A_51, %div3A : i32
      %jit3A_52 = arith.constant 2 : i32
      %eq3A_53 = arith.constant 0 : i32
      %eq3A_54 = arith.cmpi eq, %jit3A_52, %eq3A_53 : i32
      %jit3A_55 = arith.constant 1 : i32
      %select_n3A_56 = arith.select %eq3A_54, %jit3A_55, %jit3A_52 : i32
      %rem3A_57 = arith.remsi %add3A_35, %select_n3A_56 : i32
      %ne3A_58 = arith.constant 0 : i32
      %ne3A_59 = arith.cmpi ne, %rem3A_57, %ne3A_58 : i32
      %lt3A = arith.constant 0 : i32
      %lt3A_60 = arith.cmpi slt, %rem3A_57, %lt3A : i32
      %lt3A_61 = arith.constant 0 : i32
      %lt3A_62 = arith.cmpi slt, %select_n3A_56, %lt3A_61 : i32
      %ne3A_63 = arith.xori %lt3A_60, %lt3A_62 : i1
      %and3A_64 = arith.andi %ne3A_63, %ne3A_59 : i1
      %add3A_65 = arith.addi %rem3A_57, %select_n3A_56 : i32
      %select_n3A_66 = arith.select %and3A_64, %add3A_65, %rem3A_57 : i32
      %mul3A_67 = arith.constant 64 : i32
      %mul3A_68 = arith.muli %select_n3A_66, %mul3A_67 : i32
      %dma_start3A = arith.constant 0 : i32
      %dma_start3A_69 = arith.constant 0 : i32
      %dma_start3A_70 = tpu.memref_slice %arg8[%add3A_35, %dma_start3A, %dma_start3A_69] : memref<8x64x128xf32, #tpu.memory_space<vmem>> -> memref<1x64x128xf32, #tpu.memory_space<vmem>>
      %dma_start3A_71 = tpu.memref_squeeze %dma_start3A_70 : memref<1x64x128xf32, #tpu.memory_space<vmem>> -> memref<64x128xf32, #tpu.memory_space<vmem>>
      %dma_start3A_72 = tpu.memref_slice %arg6[%select_n3A, %mul3A_68] : memref<8x128xi32, #tpu.memory_space<vmem>> -> memref<1x64xi32, #tpu.memory_space<vmem>>
      %dma_start3A_73 = tpu.memref_squeeze %dma_start3A_72 : memref<1x64xi32, #tpu.memory_space<vmem>> -> memref<64xi32, #tpu.memory_space<vmem>>
      %dma_start3A_74 = arith.constant 0 : i32
      %dma_start3A_75 = arith.constant 0 : i32
      %dma_start3A_76 = tpu.memref_slice %arg2[%dma_start3A_74, %dma_start3A_75] : memref<100000x128xf32, #tpu.memory_space<hbm>> -> memref<100000x128xf32, #tpu.memory_space<hbm>>
      %dma_start3A_77 = tpu.memref_slice %arg12[%add3A_35] : memref<8x!tpu.dma_semaphore, #tpu.memory_space<semaphore_mem>> -> memref<1x!tpu.dma_semaphore, #tpu.memory_space<semaphore_mem>>
      %dma_start3A_78 = tpu.memref_squeeze %dma_start3A_77 : memref<1x!tpu.dma_semaphore, #tpu.memory_space<semaphore_mem>> -> memref<!tpu.dma_semaphore, #tpu.memory_space<semaphore_mem>>
      tpu.enqueue_indirect_dma source(%dma_start3A_76 : memref<100000x128xf32, #tpu.memory_space<hbm>>) target(%dma_start3A_71 : memref<64x128xf32, #tpu.memory_space<vmem>>) offsets(%dma_start3A_73 : memref<64xi32, #tpu.memory_space<vmem>>) semaphore(%dma_start3A_78 : memref<!tpu.dma_semaphore, #tpu.memory_space<semaphore_mem>>)
    }
    %scan3A_6 = arith.constant 7 : i32
    %mul3A_7 = arith.constant 16 : i32
    %mul3A_8 = arith.muli %add3A, %mul3A_7 : i32
    "tpu.region"() ({
      %run_scoped3A = tpu.sem_alloc : memref<!tpu.dma_semaphore, #tpu.memory_space<semaphore_mem>>
      %dma_start3A = arith.constant 0 : i32
      %dma_start3A_31 = tpu.memref_slice %arg4[%mul3A_8, %dma_start3A] : memref<512x64xi32, #tpu.memory_space<hbm>> -> memref<16x64xi32, #tpu.memory_space<hbm>>
      %dma_start3A_32 = arith.constant 0 : i32
      %dma_start3A_33 = tpu.memref_slice %arg4[%mul3A_8, %dma_start3A_32] : memref<512x64xi32, #tpu.memory_space<hbm>> -> memref<16x64xi32, #tpu.memory_space<hbm>>
      tpu.enqueue_dma source(%dma_start3A_33 : memref<16x64xi32, #tpu.memory_space<hbm>>) target(%arg7 : memref<16x64xi32, #tpu.memory_space<vmem>>) target_semaphore(%run_scoped3A : memref<!tpu.dma_semaphore, #tpu.memory_space<semaphore_mem>>)
      %dma_wait3A = arith.constant 0 : i32
      %dma_wait3A_34 = tpu.memref_slice %arg4[%mul3A_8, %dma_wait3A] : memref<512x64xi32, #tpu.memory_space<hbm>> -> memref<16x64xi32, #tpu.memory_space<hbm>>
      %dma_wait3A_35 = arith.constant 0 : i32
      %dma_wait3A_36 = tpu.memref_slice %arg4[%mul3A_8, %dma_wait3A_35] : memref<512x64xi32, #tpu.memory_space<hbm>> -> memref<16x64xi32, #tpu.memory_space<hbm>>
      tpu.wait_dma2 semaphore(%run_scoped3A : memref<!tpu.dma_semaphore, #tpu.memory_space<semaphore_mem>>) src(%dma_wait3A_36 : memref<16x64xi32, #tpu.memory_space<hbm>>) dst(%arg7 : memref<16x64xi32, #tpu.memory_space<vmem>>)
      tpu.yield
    }) : () -> ()
    %broadcast_in_dim3A = arith.constant 0.000000e+00 : f32
    %broadcast_in_dim3A_9 = vector.broadcast %broadcast_in_dim3A : f32 to vector<16xf32>
    %iota3A = tpu.iota {dimensions = array<i32: 0>} : vector<16xi32>
    %swap3A = arith.constant 0 : index
    %swap3A_10 = tpu.vector_load %arg10[%swap3A] {strides = array<i32>} : memref<16xi32, #tpu.memory_space<vmem>>, vector<16xi32>,
    %swap3A_11 = vector.shape_cast %swap3A_10 : vector<16xi32> to vector<16xi32>
    %swap3A_12 = vector.shape_cast %iota3A : vector<16xi32> to vector<16xi32>
    tpu.vector_store %arg10[%swap3A], %swap3A_12 {strides = array<i32>} : memref<16xi32, #tpu.memory_space<vmem>>, vector<16xi32>,
    %scan3A_13 = arith.constant 0 : i32
    %scan3A_14 = arith.constant 16 : i32
    %scan3A_15 = arith.addi %scan3A_13, %scan3A_14 : i32
    %scan3A_16 = arith.constant 1 : i32
    scf.for %scan3A_31 = %scan3A_13 to %scan3A_15 step %scan3A_16  : i32 {
      %mul3A_32 = arith.constant 1 : i32
      %mul3A_33 = arith.muli %scan3A_31, %mul3A_32 : i32
      %add3A_34 = arith.constant 0 : i32
      %add3A_35 = arith.addi %add3A_34, %mul3A_33 : i32
      %swap3A_36 = arith.index_cast %add3A_35 : i32 to index
      %swap3A_37 = arith.constant 0 : index
      %swap3A_38 = tpu.vector_load %arg9[%swap3A_36, %swap3A_37] {strides = array<i32>} : memref<16x128xf32, #tpu.memory_space<vmem>>, vector<1x16xf32>,
      %swap3A_39 = vector.shape_cast %swap3A_38 : vector<1x16xf32> to vector<16xf32>
      %swap3A_40 = vector.shape_cast %broadcast_in_dim3A_9 : vector<16xf32> to vector<1x16xf32>
      tpu.vector_store %arg9[%swap3A_36, %swap3A_37], %swap3A_40 {strides = array<i32>} : memref<16x128xf32, #tpu.memory_space<vmem>>, vector<1x16xf32>,
      %swap3A_41 = arith.index_cast %add3A_35 : i32 to index
      %swap3A_42 = arith.constant 16 : index
      %swap3A_43 = tpu.vector_load %arg9[%swap3A_41, %swap3A_42] {strides = array<i32>} : memref<16x128xf32, #tpu.memory_space<vmem>>, vector<1x16xf32>,
      %swap3A_44 = vector.shape_cast %swap3A_43 : vector<1x16xf32> to vector<16xf32>
      %swap3A_45 = vector.shape_cast %broadcast_in_dim3A_9 : vector<16xf32> to vector<1x16xf32>
      tpu.vector_store %arg9[%swap3A_41, %swap3A_42], %swap3A_45 {strides = array<i32>} : memref<16x128xf32, #tpu.memory_space<vmem>>, vector<1x16xf32>,
      %swap3A_46 = arith.index_cast %add3A_35 : i32 to index
      %swap3A_47 = arith.constant 32 : index
      %swap3A_48 = tpu.vector_load %arg9[%swap3A_46, %swap3A_47] {strides = array<i32>} : memref<16x128xf32, #tpu.memory_space<vmem>>, vector<1x16xf32>,
      %swap3A_49 = vector.shape_cast %swap3A_48 : vector<1x16xf32> to vector<16xf32>
      %swap3A_50 = vector.shape_cast %broadcast_in_dim3A_9 : vector<16xf32> to vector<1x16xf32>
      tpu.vector_store %arg9[%swap3A_46, %swap3A_47], %swap3A_50 {strides = array<i32>} : memref<16x128xf32, #tpu.memory_space<vmem>>, vector<1x16xf32>,
      %swap3A_51 = arith.index_cast %add3A_35 : i32 to index
      %swap3A_52 = arith.constant 48 : index
      %swap3A_53 = tpu.vector_load %arg9[%swap3A_51, %swap3A_52] {strides = array<i32>} : memref<16x128xf32, #tpu.memory_space<vmem>>, vector<1x16xf32>,
      %swap3A_54 = vector.shape_cast %swap3A_53 : vector<1x16xf32> to vector<16xf32>
      %swap3A_55 = vector.shape_cast %broadcast_in_dim3A_9 : vector<16xf32> to vector<1x16xf32>
      tpu.vector_store %arg9[%swap3A_51, %swap3A_52], %swap3A_55 {strides = array<i32>} : memref<16x128xf32, #tpu.memory_space<vmem>>, vector<1x16xf32>,
      %swap3A_56 = arith.index_cast %add3A_35 : i32 to index
      %swap3A_57 = arith.constant 64 : index
      %swap3A_58 = tpu.vector_load %arg9[%swap3A_56, %swap3A_57] {strides = array<i32>} : memref<16x128xf32, #tpu.memory_space<vmem>>, vector<1x16xf32>,
      %swap3A_59 = vector.shape_cast %swap3A_58 : vector<1x16xf32> to vector<16xf32>
      %swap3A_60 = vector.shape_cast %broadcast_in_dim3A_9 : vector<16xf32> to vector<1x16xf32>
      tpu.vector_store %arg9[%swap3A_56, %swap3A_57], %swap3A_60 {strides = array<i32>} : memref<16x128xf32, #tpu.memory_space<vmem>>, vector<1x16xf32>,
      %swap3A_61 = arith.index_cast %add3A_35 : i32 to index
      %swap3A_62 = arith.constant 80 : index
      %swap3A_63 = tpu.vector_load %arg9[%swap3A_61, %swap3A_62] {strides = array<i32>} : memref<16x128xf32, #tpu.memory_space<vmem>>, vector<1x16xf32>,
      %swap3A_64 = vector.shape_cast %swap3A_63 : vector<1x16xf32> to vector<16xf32>
      %swap3A_65 = vector.shape_cast %broadcast_in_dim3A_9 : vector<16xf32> to vector<1x16xf32>
      tpu.vector_store %arg9[%swap3A_61, %swap3A_62], %swap3A_65 {strides = array<i32>} : memref<16x128xf32, #tpu.memory_space<vmem>>, vector<1x16xf32>,
      %swap3A_66 = arith.index_cast %add3A_35 : i32 to index
      %swap3A_67 = arith.constant 96 : index
      %swap3A_68 = tpu.vector_load %arg9[%swap3A_66, %swap3A_67] {strides = array<i32>} : memref<16x128xf32, #tpu.memory_space<vmem>>, vector<1x16xf32>,
      %swap3A_69 = vector.shape_cast %swap3A_68 : vector<1x16xf32> to vector<16xf32>
      %swap3A_70 = vector.shape_cast %broadcast_in_dim3A_9 : vector<16xf32> to vector<1x16xf32>
      tpu.vector_store %arg9[%swap3A_66, %swap3A_67], %swap3A_70 {strides = array<i32>} : memref<16x128xf32, #tpu.memory_space<vmem>>, vector<1x16xf32>,
      %swap3A_71 = arith.index_cast %add3A_35 : i32 to index
      %swap3A_72 = arith.constant 112 : index
      %swap3A_73 = tpu.vector_load %arg9[%swap3A_71, %swap3A_72] {strides = array<i32>} : memref<16x128xf32, #tpu.memory_space<vmem>>, vector<1x16xf32>,
      %swap3A_74 = vector.shape_cast %swap3A_73 : vector<1x16xf32> to vector<16xf32>
      %swap3A_75 = vector.shape_cast %broadcast_in_dim3A_9 : vector<16xf32> to vector<1x16xf32>
      tpu.vector_store %arg9[%swap3A_71, %swap3A_72], %swap3A_75 {strides = array<i32>} : memref<16x128xf32, #tpu.memory_space<vmem>>, vector<1x16xf32>,
    }
    %scan3A_17 = arith.constant 16 : i32
    %eq3A = arith.constant 0 : i32
    %eq3A_18 = arith.cmpi eq, %arg1, %eq3A : i32
    %convert_element_type3A = arith.extui %eq3A_18 : i1 to i32
    %cond3A = arith.constant 0 : i32
    %cond3A_19 = arith.cmpi ne, %convert_element_type3A, %cond3A : i32
    scf.if %cond3A_19 {
      "tpu.region"() ({
        %run_scoped3A = tpu.sem_alloc : memref<!tpu.dma_semaphore, #tpu.memory_space<semaphore_mem>>
        tpu.enqueue_dma source(%arg9 : memref<16x128xf32, #tpu.memory_space<vmem>>) target(%arg11 : memref<16x128xf32, #tpu.memory_space<vmem_shared>>) target_semaphore(%run_scoped3A : memref<!tpu.dma_semaphore, #tpu.memory_space<semaphore_mem>>)
        tpu.wait_dma2 semaphore(%run_scoped3A : memref<!tpu.dma_semaphore, #tpu.memory_space<semaphore_mem>>) src(%arg9 : memref<16x128xf32, #tpu.memory_space<vmem>>) dst(%arg11 : memref<16x128xf32, #tpu.memory_space<vmem_shared>>)
        tpu.yield
      }) : () -> ()
    } else {
    }
    %barrier3A = arith.constant 0 : index
    tpu.barrier barrier_id(%barrier3A)
    %scan3A_20 = arith.constant 0 : i32
    %scan3A_21 = arith.constant 16 : i32
    %scan3A_22 = arith.addi %scan3A_20, %scan3A_21 : i32
    %scan3A_23 = arith.constant 1 : i32
    scf.for %scan3A_31 = %scan3A_20 to %scan3A_22 step %scan3A_23  : i32 {
      %mul3A_32 = arith.constant 1 : i32
      %mul3A_33 = arith.muli %scan3A_31, %mul3A_32 : i32
      %add3A_34 = arith.constant 0 : i32
      %add3A_35 = arith.addi %add3A_34, %mul3A_33 : i32
      %jit3A = arith.constant 8 : i32
      %eq3A_36 = arith.constant 0 : i32
      %eq3A_37 = arith.cmpi eq, %jit3A, %eq3A_36 : i32
      %jit3A_38 = arith.constant 1 : i32
      %select_n3A = arith.select %eq3A_37, %jit3A_38, %jit3A : i32
      %rem3A = arith.remsi %add3A_35, %select_n3A : i32
      %ne3A = arith.constant 0 : i32
      %ne3A_39 = arith.cmpi ne, %rem3A, %ne3A : i32
      %lt3A = arith.constant 0 : i32
      %lt3A_40 = arith.cmpi slt, %rem3A, %lt3A : i32
      %lt3A_41 = arith.constant 0 : i32
      %lt3A_42 = arith.cmpi slt, %select_n3A, %lt3A_41 : i32
      %ne3A_43 = arith.xori %lt3A_40, %lt3A_42 : i1
      %and3A = arith.andi %ne3A_43, %ne3A_39 : i1
      %add3A_44 = arith.addi %rem3A, %select_n3A : i32
      %select_n3A_45 = arith.select %and3A, %add3A_44, %rem3A : i32
      %add3A_46 = arith.constant 8 : i32
      %add3A_47 = arith.addi %add3A_35, %add3A_46 : i32
      %sub3A = arith.constant 1 : i32
      %sub3A_48 = arith.subi %add3A_47, %sub3A : i32
      %jit3A_49 = arith.constant 8 : i32
      %eq3A_50 = arith.constant 0 : i32
      %eq3A_51 = arith.cmpi eq, %jit3A_49, %eq3A_50 : i32
      %jit3A_52 = arith.constant 1 : i32
      %select_n3A_53 = arith.select %eq3A_51, %jit3A_52, %jit3A_49 : i32
      %rem3A_54 = arith.remsi %sub3A_48, %select_n3A_53 : i32
      %ne3A_55 = arith.constant 0 : i32
      %ne3A_56 = arith.cmpi ne, %rem3A_54, %ne3A_55 : i32
      %lt3A_57 = arith.constant 0 : i32
      %lt3A_58 = arith.cmpi slt, %rem3A_54, %lt3A_57 : i32
      %lt3A_59 = arith.constant 0 : i32
      %lt3A_60 = arith.cmpi slt, %select_n3A_53, %lt3A_59 : i32
      %ne3A_61 = arith.xori %lt3A_58, %lt3A_60 : i1
      %and3A_62 = arith.andi %ne3A_61, %ne3A_56 : i1
      %add3A_63 = arith.addi %rem3A_54, %select_n3A_53 : i32
      %select_n3A_64 = arith.select %and3A_62, %add3A_63, %rem3A_54 : i32
      %lt3A_65 = arith.constant 16 : i32
      %lt3A_66 = arith.cmpi slt, %sub3A_48, %lt3A_65 : i32
      %convert_element_type3A_67 = arith.extui %lt3A_66 : i1 to i32
      %cond3A_68 = arith.constant 0 : i32
      %cond3A_69 = arith.cmpi ne, %convert_element_type3A_67, %cond3A_68 : i32
      scf.if %cond3A_69 {
        %jit3A_137 = arith.constant 2 : i32
        %div3A_138 = arith.divsi %sub3A_48, %jit3A_137 : i32
        %sign3A_139 = arith.constant 0 : i32
        %sign3A_140 = arith.cmpi sgt, %sub3A_48, %sign3A_139 : i32
        %sign3A_141 = arith.extui %sign3A_140 : i1 to i32
        %sign3A_142 = arith.constant 0 : i32
        %sign3A_143 = arith.cmpi slt, %sub3A_48, %sign3A_142 : i32
        %sign3A_144 = arith.extui %sign3A_143 : i1 to i32
        %sign3A_145 = arith.subi %sign3A_141, %sign3A_144 : i32
        %sign3A_146 = arith.constant 0 : i32
        %sign3A_147 = arith.cmpi sgt, %jit3A_137, %sign3A_146 : i32
        %sign3A_148 = arith.extui %sign3A_147 : i1 to i32
        %sign3A_149 = arith.constant 0 : i32
        %sign3A_150 = arith.cmpi slt, %jit3A_137, %sign3A_149 : i32
        %sign3A_151 = arith.extui %sign3A_150 : i1 to i32
        %sign3A_152 = arith.subi %sign3A_148, %sign3A_151 : i32
        %ne3A_153 = arith.cmpi ne, %sign3A_145, %sign3A_152 : i32
        %rem3A_154 = arith.remsi %sub3A_48, %jit3A_137 : i32
        %ne3A_155 = arith.constant 0 : i32
        %ne3A_156 = arith.cmpi ne, %rem3A_154, %ne3A_155 : i32
        %and3A_157 = arith.andi %ne3A_153, %ne3A_156 : i1
        %sub3A_158 = arith.constant 1 : i32
        %sub3A_159 = arith.subi %div3A_138, %sub3A_158 : i32
        %select_n3A_160 = arith.select %and3A_157, %sub3A_159, %div3A_138 : i32
        %jit3A_161 = arith.constant 2 : i32
        %eq3A_162 = arith.constant 0 : i32
        %eq3A_163 = arith.cmpi eq, %jit3A_161, %eq3A_162 : i32
        %jit3A_164 = arith.constant 1 : i32
        %select_n3A_165 = arith.select %eq3A_163, %jit3A_164, %jit3A_161 : i32
        %rem3A_166 = arith.remsi %sub3A_48, %select_n3A_165 : i32
        %ne3A_167 = arith.constant 0 : i32
        %ne3A_168 = arith.cmpi ne, %rem3A_166, %ne3A_167 : i32
        %lt3A_169 = arith.constant 0 : i32
        %lt3A_170 = arith.cmpi slt, %rem3A_166, %lt3A_169 : i32
        %lt3A_171 = arith.constant 0 : i32
        %lt3A_172 = arith.cmpi slt, %select_n3A_165, %lt3A_171 : i32
        %ne3A_173 = arith.xori %lt3A_170, %lt3A_172 : i1
        %and3A_174 = arith.andi %ne3A_173, %ne3A_168 : i1
        %add3A_175 = arith.addi %rem3A_166, %select_n3A_165 : i32
        %select_n3A_176 = arith.select %and3A_174, %add3A_175, %rem3A_166 : i32
        %mul3A_177 = arith.constant 64 : i32
        %mul3A_178 = arith.muli %select_n3A_176, %mul3A_177 : i32
        %dma_start3A = arith.constant 0 : i32
        %dma_start3A_179 = arith.constant 0 : i32
        %dma_start3A_180 = tpu.memref_slice %arg8[%select_n3A_64, %dma_start3A, %dma_start3A_179] : memref<8x64x128xf32, #tpu.memory_space<vmem>> -> memref<1x64x128xf32, #tpu.memory_space<vmem>>
        %dma_start3A_181 = tpu.memref_squeeze %dma_start3A_180 : memref<1x64x128xf32, #tpu.memory_space<vmem>> -> memref<64x128xf32, #tpu.memory_space<vmem>>
        %dma_start3A_182 = tpu.memref_slice %arg6[%select_n3A_160, %mul3A_178] : memref<8x128xi32, #tpu.memory_space<vmem>> -> memref<1x64xi32, #tpu.memory_space<vmem>>
        %dma_start3A_183 = tpu.memref_squeeze %dma_start3A_182 : memref<1x64xi32, #tpu.memory_space<vmem>> -> memref<64xi32, #tpu.memory_space<vmem>>
        %dma_start3A_184 = arith.constant 0 : i32
        %dma_start3A_185 = arith.constant 0 : i32
        %dma_start3A_186 = tpu.memref_slice %arg2[%dma_start3A_184, %dma_start3A_185] : memref<100000x128xf32, #tpu.memory_space<hbm>> -> memref<100000x128xf32, #tpu.memory_space<hbm>>
        %dma_start3A_187 = tpu.memref_slice %arg12[%select_n3A_64] : memref<8x!tpu.dma_semaphore, #tpu.memory_space<semaphore_mem>> -> memref<1x!tpu.dma_semaphore, #tpu.memory_space<semaphore_mem>>
        %dma_start3A_188 = tpu.memref_squeeze %dma_start3A_187 : memref<1x!tpu.dma_semaphore, #tpu.memory_space<semaphore_mem>> -> memref<!tpu.dma_semaphore, #tpu.memory_space<semaphore_mem>>
        tpu.enqueue_indirect_dma source(%dma_start3A_186 : memref<100000x128xf32, #tpu.memory_space<hbm>>) target(%dma_start3A_181 : memref<64x128xf32, #tpu.memory_space<vmem>>) offsets(%dma_start3A_183 : memref<64xi32, #tpu.memory_space<vmem>>) semaphore(%dma_start3A_188 : memref<!tpu.dma_semaphore, #tpu.memory_space<semaphore_mem>>)
      } else {
      }
      %jit3A_70 = arith.constant 2 : i32
      %div3A = arith.divsi %add3A_35, %jit3A_70 : i32
      %sign3A = arith.constant 0 : i32
      %sign3A_71 = arith.cmpi sgt, %add3A_35, %sign3A : i32
      %sign3A_72 = arith.extui %sign3A_71 : i1 to i32
      %sign3A_73 = arith.constant 0 : i32
      %sign3A_74 = arith.cmpi slt, %add3A_35, %sign3A_73 : i32
      %sign3A_75 = arith.extui %sign3A_74 : i1 to i32
      %sign3A_76 = arith.subi %sign3A_72, %sign3A_75 : i32
      %sign3A_77 = arith.constant 0 : i32
      %sign3A_78 = arith.cmpi sgt, %jit3A_70, %sign3A_77 : i32
      %sign3A_79 = arith.extui %sign3A_78 : i1 to i32
      %sign3A_80 = arith.constant 0 : i32
      %sign3A_81 = arith.cmpi slt, %jit3A_70, %sign3A_80 : i32
      %sign3A_82 = arith.extui %sign3A_81 : i1 to i32
      %sign3A_83 = arith.subi %sign3A_79, %sign3A_82 : i32
      %ne3A_84 = arith.cmpi ne, %sign3A_76, %sign3A_83 : i32
      %rem3A_85 = arith.remsi %add3A_35, %jit3A_70 : i32
      %ne3A_86 = arith.constant 0 : i32
      %ne3A_87 = arith.cmpi ne, %rem3A_85, %ne3A_86 : i32
      %and3A_88 = arith.andi %ne3A_84, %ne3A_87 : i1
      %sub3A_89 = arith.constant 1 : i32
      %sub3A_90 = arith.subi %div3A, %sub3A_89 : i32
      %select_n3A_91 = arith.select %and3A_88, %sub3A_90, %div3A : i32
      %jit3A_92 = arith.constant 2 : i32
      %eq3A_93 = arith.constant 0 : i32
      %eq3A_94 = arith.cmpi eq, %jit3A_92, %eq3A_93 : i32
      %jit3A_95 = arith.constant 1 : i32
      %select_n3A_96 = arith.select %eq3A_94, %jit3A_95, %jit3A_92 : i32
      %rem3A_97 = arith.remsi %add3A_35, %select_n3A_96 : i32
      %ne3A_98 = arith.constant 0 : i32
      %ne3A_99 = arith.cmpi ne, %rem3A_97, %ne3A_98 : i32
      %lt3A_100 = arith.constant 0 : i32
      %lt3A_101 = arith.cmpi slt, %rem3A_97, %lt3A_100 : i32
      %lt3A_102 = arith.constant 0 : i32
      %lt3A_103 = arith.cmpi slt, %select_n3A_96, %lt3A_102 : i32
      %ne3A_104 = arith.xori %lt3A_101, %lt3A_103 : i1
      %and3A_105 = arith.andi %ne3A_104, %ne3A_99 : i1
      %add3A_106 = arith.addi %rem3A_97, %select_n3A_96 : i32
      %select_n3A_107 = arith.select %and3A_105, %add3A_106, %rem3A_97 : i32
      %mul3A_108 = arith.constant 64 : i32
      %mul3A_109 = arith.muli %select_n3A_107, %mul3A_108 : i32
      %dma_wait3A = arith.constant 0 : i32
      %dma_wait3A_110 = arith.constant 0 : i32
      %dma_wait3A_111 = tpu.memref_slice %arg8[%select_n3A_45, %dma_wait3A, %dma_wait3A_110] : memref<8x64x128xf32, #tpu.memory_space<vmem>> -> memref<1x64x128xf32, #tpu.memory_space<vmem>>
      %dma_wait3A_112 = tpu.memref_squeeze %dma_wait3A_111 : memref<1x64x128xf32, #tpu.memory_space<vmem>> -> memref<64x128xf32, #tpu.memory_space<vmem>>
      %dma_wait3A_113 = tpu.memref_slice %arg6[%select_n3A_91, %mul3A_109] : memref<8x128xi32, #tpu.memory_space<vmem>> -> memref<1x64xi32, #tpu.memory_space<vmem>>
      %dma_wait3A_114 = tpu.memref_squeeze %dma_wait3A_113 : memref<1x64xi32, #tpu.memory_space<vmem>> -> memref<64xi32, #tpu.memory_space<vmem>>
      %dma_wait3A_115 = arith.constant 0 : i32
      %dma_wait3A_116 = arith.constant 0 : i32
      %dma_wait3A_117 = tpu.memref_slice %arg2[%dma_wait3A_115, %dma_wait3A_116] : memref<100000x128xf32, #tpu.memory_space<hbm>> -> memref<100000x128xf32, #tpu.memory_space<hbm>>
      %dma_wait3A_118 = tpu.memref_slice %arg12[%select_n3A_45] : memref<8x!tpu.dma_semaphore, #tpu.memory_space<semaphore_mem>> -> memref<1x!tpu.dma_semaphore, #tpu.memory_space<semaphore_mem>>
      %dma_wait3A_119 = tpu.memref_squeeze %dma_wait3A_118 : memref<1x!tpu.dma_semaphore, #tpu.memory_space<semaphore_mem>> -> memref<!tpu.dma_semaphore, #tpu.memory_space<semaphore_mem>>
      tpu.wait_indirect_dma semaphore(%dma_wait3A_119 : memref<!tpu.dma_semaphore, #tpu.memory_space<semaphore_mem>>) src(%dma_wait3A_117 : memref<100000x128xf32, #tpu.memory_space<hbm>>) dst(%dma_wait3A_112 : memref<64x128xf32, #tpu.memory_space<vmem>>)
      %get3A = arith.index_cast %add3A_35 : i32 to index
      %get3A_120 = arith.constant 0 : index
      %get3A_121 = tpu.vector_load %arg7[%get3A, %get3A_120] {strides = array<i32>} : memref<16x64xi32, #tpu.memory_space<vmem>>, vector<1x16xi32>,
      %get3A_122 = vector.shape_cast %get3A_121 : vector<1x16xi32> to vector<16xi32>
      %slice3A = vector.extract_strided_slice %get3A_122 {offsets = [0], sizes = [1], strides = [1]} : vector<16xi32> to vector<1xi32>
      %squeeze3A = vector.extract %slice3A[0] : i32 from vector<1xi32>
      %get3A_123 = arith.index_cast %add3A_35 : i32 to index
      %get3A_124 = arith.constant 48 : index
      %get3A_125 = tpu.vector_load %arg7[%get3A_123, %get3A_124] {strides = array<i32>} : memref<16x64xi32, #tpu.memory_space<vmem>>, vector<1x16xi32>,
      %get3A_126 = vector.shape_cast %get3A_125 : vector<1x16xi32> to vector<16xi32>
      %slice3A_127 = vector.extract_strided_slice %get3A_126 {offsets = [15], sizes = [1], strides = [1]} : vector<16xi32> to vector<1xi32>
      %squeeze3A_128 = vector.extract %slice3A_127[0] : i32 from vector<1xi32>
      %eq3A_129 = arith.cmpi eq, %squeeze3A, %squeeze3A_128 : i32
      %convert_element_type3A_130 = arith.extui %eq3A_129 : i1 to i32
      %cond3A_131 = arith.constant 0 : i32
      %cond3A_132 = arith.cmpi ne, %convert_element_type3A_130, %cond3A_131 : i32
      scf.if %cond3A_132 {
        %scan3A_137 = arith.constant 0 : i32
        %scan3A_138 = arith.constant 32 : i32
        %scan3A_139 = arith.addi %scan3A_137, %scan3A_138 : i32
        %scan3A_140 = arith.constant 1 : i32
        %scan3A_141:8 = scf.for %scan3A_183 = %scan3A_137 to %scan3A_139 step %scan3A_140 iter_args(%scan3A_184 = %broadcast_in_dim3A_9, %scan3A_185 = %broadcast_in_dim3A_9, %scan3A_186 = %broadcast_in_dim3A_9, %scan3A_187 = %broadcast_in_dim3A_9, %scan3A_188 = %broadcast_in_dim3A_9, %scan3A_189 = %broadcast_in_dim3A_9, %scan3A_190 = %broadcast_in_dim3A_9, %scan3A_191 = %broadcast_in_dim3A_9) -> (vector<16xf32>, vector<16xf32>, vector<16xf32>, vector<16xf32>, vector<16xf32>, vector<16xf32>, vector<16xf32>, vector<16xf32>)  : i32 {
          %mul3A_192 = arith.constant 2 : i32
          %mul3A_193 = arith.muli %scan3A_183, %mul3A_192 : i32
          %get3A_194 = arith.index_cast %select_n3A_45 : i32 to index
          %get3A_195 = arith.index_cast %mul3A_193 : i32 to index
          %get3A_196 = arith.constant 0 : index
          %get3A_197 = tpu.vector_load %arg8[%get3A_194, %get3A_195, %get3A_196] {strides = array<i32>} : memref<8x64x128xf32, #tpu.memory_space<vmem>>, vector<1x1x16xf32>,
          %get3A_198 = vector.shape_cast %get3A_197 : vector<1x1x16xf32> to vector<16xf32>
          %add3A_199 = arith.constant 1 : i32
          %add3A_200 = arith.addi %mul3A_193, %add3A_199 : i32
          %get3A_201 = arith.index_cast %select_n3A_45 : i32 to index
          %get3A_202 = arith.index_cast %add3A_200 : i32 to index
          %get3A_203 = arith.constant 0 : index
          %get3A_204 = tpu.vector_load %arg8[%get3A_201, %get3A_202, %get3A_203] {strides = array<i32>} : memref<8x64x128xf32, #tpu.memory_space<vmem>>, vector<1x1x16xf32>,
          %get3A_205 = vector.shape_cast %get3A_204 : vector<1x1x16xf32> to vector<16xf32>
          %add3A_206 = arith.addf %get3A_198, %get3A_205 : vector<16xf32>
          %add3A_207 = arith.addf %scan3A_184, %add3A_206 : vector<16xf32>
          %get3A_208 = arith.index_cast %select_n3A_45 : i32 to index
          %get3A_209 = arith.index_cast %mul3A_193 : i32 to index
          %get3A_210 = arith.constant 16 : index
          %get3A_211 = tpu.vector_load %arg8[%get3A_208, %get3A_209, %get3A_210] {strides = array<i32>} : memref<8x64x128xf32, #tpu.memory_space<vmem>>, vector<1x1x16xf32>,
          %get3A_212 = vector.shape_cast %get3A_211 : vector<1x1x16xf32> to vector<16xf32>
          %add3A_213 = arith.constant 1 : i32
          %add3A_214 = arith.addi %mul3A_193, %add3A_213 : i32
          %get3A_215 = arith.index_cast %select_n3A_45 : i32 to index
          %get3A_216 = arith.index_cast %add3A_214 : i32 to index
          %get3A_217 = arith.constant 16 : index
          %get3A_218 = tpu.vector_load %arg8[%get3A_215, %get3A_216, %get3A_217] {strides = array<i32>} : memref<8x64x128xf32, #tpu.memory_space<vmem>>, vector<1x1x16xf32>,
          %get3A_219 = vector.shape_cast %get3A_218 : vector<1x1x16xf32> to vector<16xf32>
          %add3A_220 = arith.addf %get3A_212, %get3A_219 : vector<16xf32>
          %add3A_221 = arith.addf %scan3A_185, %add3A_220 : vector<16xf32>
          %get3A_222 = arith.index_cast %select_n3A_45 : i32 to index
          %get3A_223 = arith.index_cast %mul3A_193 : i32 to index
          %get3A_224 = arith.constant 32 : index
          %get3A_225 = tpu.vector_load %arg8[%get3A_222, %get3A_223, %get3A_224] {strides = array<i32>} : memref<8x64x128xf32, #tpu.memory_space<vmem>>, vector<1x1x16xf32>,
          %get3A_226 = vector.shape_cast %get3A_225 : vector<1x1x16xf32> to vector<16xf32>
          %add3A_227 = arith.constant 1 : i32
          %add3A_228 = arith.addi %mul3A_193, %add3A_227 : i32
          %get3A_229 = arith.index_cast %select_n3A_45 : i32 to index
          %get3A_230 = arith.index_cast %add3A_228 : i32 to index
          %get3A_231 = arith.constant 32 : index
          %get3A_232 = tpu.vector_load %arg8[%get3A_229, %get3A_230, %get3A_231] {strides = array<i32>} : memref<8x64x128xf32, #tpu.memory_space<vmem>>, vector<1x1x16xf32>,
          %get3A_233 = vector.shape_cast %get3A_232 : vector<1x1x16xf32> to vector<16xf32>
          %add3A_234 = arith.addf %get3A_226, %get3A_233 : vector<16xf32>
          %add3A_235 = arith.addf %scan3A_186, %add3A_234 : vector<16xf32>
          %get3A_236 = arith.index_cast %select_n3A_45 : i32 to index
          %get3A_237 = arith.index_cast %mul3A_193 : i32 to index
          %get3A_238 = arith.constant 48 : index
          %get3A_239 = tpu.vector_load %arg8[%get3A_236, %get3A_237, %get3A_238] {strides = array<i32>} : memref<8x64x128xf32, #tpu.memory_space<vmem>>, vector<1x1x16xf32>,
          %get3A_240 = vector.shape_cast %get3A_239 : vector<1x1x16xf32> to vector<16xf32>
          %add3A_241 = arith.constant 1 : i32
          %add3A_242 = arith.addi %mul3A_193, %add3A_241 : i32
          %get3A_243 = arith.index_cast %select_n3A_45 : i32 to index
          %get3A_244 = arith.index_cast %add3A_242 : i32 to index
          %get3A_245 = arith.constant 48 : index
          %get3A_246 = tpu.vector_load %arg8[%get3A_243, %get3A_244, %get3A_245] {strides = array<i32>} : memref<8x64x128xf32, #tpu.memory_space<vmem>>, vector<1x1x16xf32>,
          %get3A_247 = vector.shape_cast %get3A_246 : vector<1x1x16xf32> to vector<16xf32>
          %add3A_248 = arith.addf %get3A_240, %get3A_247 : vector<16xf32>
          %add3A_249 = arith.addf %scan3A_187, %add3A_248 : vector<16xf32>
          %get3A_250 = arith.index_cast %select_n3A_45 : i32 to index
          %get3A_251 = arith.index_cast %mul3A_193 : i32 to index
          %get3A_252 = arith.constant 64 : index
          %get3A_253 = tpu.vector_load %arg8[%get3A_250, %get3A_251, %get3A_252] {strides = array<i32>} : memref<8x64x128xf32, #tpu.memory_space<vmem>>, vector<1x1x16xf32>,
          %get3A_254 = vector.shape_cast %get3A_253 : vector<1x1x16xf32> to vector<16xf32>
          %add3A_255 = arith.constant 1 : i32
          %add3A_256 = arith.addi %mul3A_193, %add3A_255 : i32
          %get3A_257 = arith.index_cast %select_n3A_45 : i32 to index
          %get3A_258 = arith.index_cast %add3A_256 : i32 to index
          %get3A_259 = arith.constant 64 : index
          %get3A_260 = tpu.vector_load %arg8[%get3A_257, %get3A_258, %get3A_259] {strides = array<i32>} : memref<8x64x128xf32, #tpu.memory_space<vmem>>, vector<1x1x16xf32>,
          %get3A_261 = vector.shape_cast %get3A_260 : vector<1x1x16xf32> to vector<16xf32>
          %add3A_262 = arith.addf %get3A_254, %get3A_261 : vector<16xf32>
          %add3A_263 = arith.addf %scan3A_188, %add3A_262 : vector<16xf32>
          %get3A_264 = arith.index_cast %select_n3A_45 : i32 to index
          %get3A_265 = arith.index_cast %mul3A_193 : i32 to index
          %get3A_266 = arith.constant 80 : index
          %get3A_267 = tpu.vector_load %arg8[%get3A_264, %get3A_265, %get3A_266] {strides = array<i32>} : memref<8x64x128xf32, #tpu.memory_space<vmem>>, vector<1x1x16xf32>,
          %get3A_268 = vector.shape_cast %get3A_267 : vector<1x1x16xf32> to vector<16xf32>
          %add3A_269 = arith.constant 1 : i32
          %add3A_270 = arith.addi %mul3A_193, %add3A_269 : i32
          %get3A_271 = arith.index_cast %select_n3A_45 : i32 to index
          %get3A_272 = arith.index_cast %add3A_270 : i32 to index
          %get3A_273 = arith.constant 80 : index
          %get3A_274 = tpu.vector_load %arg8[%get3A_271, %get3A_272, %get3A_273] {strides = array<i32>} : memref<8x64x128xf32, #tpu.memory_space<vmem>>, vector<1x1x16xf32>,
          %get3A_275 = vector.shape_cast %get3A_274 : vector<1x1x16xf32> to vector<16xf32>
          %add3A_276 = arith.addf %get3A_268, %get3A_275 : vector<16xf32>
          %add3A_277 = arith.addf %scan3A_189, %add3A_276 : vector<16xf32>
          %get3A_278 = arith.index_cast %select_n3A_45 : i32 to index
          %get3A_279 = arith.index_cast %mul3A_193 : i32 to index
          %get3A_280 = arith.constant 96 : index
          %get3A_281 = tpu.vector_load %arg8[%get3A_278, %get3A_279, %get3A_280] {strides = array<i32>} : memref<8x64x128xf32, #tpu.memory_space<vmem>>, vector<1x1x16xf32>,
          %get3A_282 = vector.shape_cast %get3A_281 : vector<1x1x16xf32> to vector<16xf32>
          %add3A_283 = arith.constant 1 : i32
          %add3A_284 = arith.addi %mul3A_193, %add3A_283 : i32
          %get3A_285 = arith.index_cast %select_n3A_45 : i32 to index
          %get3A_286 = arith.index_cast %add3A_284 : i32 to index
          %get3A_287 = arith.constant 96 : index
          %get3A_288 = tpu.vector_load %arg8[%get3A_285, %get3A_286, %get3A_287] {strides = array<i32>} : memref<8x64x128xf32, #tpu.memory_space<vmem>>, vector<1x1x16xf32>,
          %get3A_289 = vector.shape_cast %get3A_288 : vector<1x1x16xf32> to vector<16xf32>
          %add3A_290 = arith.addf %get3A_282, %get3A_289 : vector<16xf32>
          %add3A_291 = arith.addf %scan3A_190, %add3A_290 : vector<16xf32>
          %get3A_292 = arith.index_cast %select_n3A_45 : i32 to index
          %get3A_293 = arith.index_cast %mul3A_193 : i32 to index
          %get3A_294 = arith.constant 112 : index
          %get3A_295 = tpu.vector_load %arg8[%get3A_292, %get3A_293, %get3A_294] {strides = array<i32>} : memref<8x64x128xf32, #tpu.memory_space<vmem>>, vector<1x1x16xf32>,
          %get3A_296 = vector.shape_cast %get3A_295 : vector<1x1x16xf32> to vector<16xf32>
          %add3A_297 = arith.constant 1 : i32
          %add3A_298 = arith.addi %mul3A_193, %add3A_297 : i32
          %get3A_299 = arith.index_cast %select_n3A_45 : i32 to index
          %get3A_300 = arith.index_cast %add3A_298 : i32 to index
          %get3A_301 = arith.constant 112 : index
          %get3A_302 = tpu.vector_load %arg8[%get3A_299, %get3A_300, %get3A_301] {strides = array<i32>} : memref<8x64x128xf32, #tpu.memory_space<vmem>>, vector<1x1x16xf32>,
          %get3A_303 = vector.shape_cast %get3A_302 : vector<1x1x16xf32> to vector<16xf32>
          %add3A_304 = arith.addf %get3A_296, %get3A_303 : vector<16xf32>
          %add3A_305 = arith.addf %scan3A_191, %add3A_304 : vector<16xf32>
          scf.yield %add3A_207, %add3A_221, %add3A_235, %add3A_249, %add3A_263, %add3A_277, %add3A_291, %add3A_305 : vector<16xf32>, vector<16xf32>, vector<16xf32>, vector<16xf32>, vector<16xf32>, vector<16xf32>, vector<16xf32>, vector<16xf32>
        }
        %scan3A_142 = arith.constant 32 : i32
        %swap3A_143 = arith.index_cast %squeeze3A : i32 to index
        %swap3A_144 = arith.constant 0 : index
        %swap3A_145 = tpu.vector_load %arg9[%swap3A_143, %swap3A_144] {strides = array<i32>} : memref<16x128xf32, #tpu.memory_space<vmem>>, vector<1x16xf32>,
        %swap3A_146 = vector.shape_cast %swap3A_145 : vector<1x16xf32> to vector<16xf32>
        %swap3A_147 = vector.shape_cast %scan3A_141#0 : vector<16xf32> to vector<1x16xf32>
        tpu.vector_store %arg9[%swap3A_143, %swap3A_144], %swap3A_147 {add = true, strides = array<i32>} : memref<16x128xf32, #tpu.memory_space<vmem>>, vector<1x16xf32>,
        %swap3A_148 = arith.index_cast %squeeze3A : i32 to index
        %swap3A_149 = arith.constant 16 : index
        %swap3A_150 = tpu.vector_load %arg9[%swap3A_148, %swap3A_149] {strides = array<i32>} : memref<16x128xf32, #tpu.memory_space<vmem>>, vector<1x16xf32>,
        %swap3A_151 = vector.shape_cast %swap3A_150 : vector<1x16xf32> to vector<16xf32>
        %swap3A_152 = vector.shape_cast %scan3A_141#1 : vector<16xf32> to vector<1x16xf32>
        tpu.vector_store %arg9[%swap3A_148, %swap3A_149], %swap3A_152 {add = true, strides = array<i32>} : memref<16x128xf32, #tpu.memory_space<vmem>>, vector<1x16xf32>,
        %swap3A_153 = arith.index_cast %squeeze3A : i32 to index
        %swap3A_154 = arith.constant 32 : index
        %swap3A_155 = tpu.vector_load %arg9[%swap3A_153, %swap3A_154] {strides = array<i32>} : memref<16x128xf32, #tpu.memory_space<vmem>>, vector<1x16xf32>,
        %swap3A_156 = vector.shape_cast %swap3A_155 : vector<1x16xf32> to vector<16xf32>
        %swap3A_157 = vector.shape_cast %scan3A_141#2 : vector<16xf32> to vector<1x16xf32>
        tpu.vector_store %arg9[%swap3A_153, %swap3A_154], %swap3A_157 {add = true, strides = array<i32>} : memref<16x128xf32, #tpu.memory_space<vmem>>, vector<1x16xf32>,
        %swap3A_158 = arith.index_cast %squeeze3A : i32 to index
        %swap3A_159 = arith.constant 48 : index
        %swap3A_160 = tpu.vector_load %arg9[%swap3A_158, %swap3A_159] {strides = array<i32>} : memref<16x128xf32, #tpu.memory_space<vmem>>, vector<1x16xf32>,
        %swap3A_161 = vector.shape_cast %swap3A_160 : vector<1x16xf32> to vector<16xf32>
        %swap3A_162 = vector.shape_cast %scan3A_141#3 : vector<16xf32> to vector<1x16xf32>
        tpu.vector_store %arg9[%swap3A_158, %swap3A_159], %swap3A_162 {add = true, strides = array<i32>} : memref<16x128xf32, #tpu.memory_space<vmem>>, vector<1x16xf32>,
        %swap3A_163 = arith.index_cast %squeeze3A : i32 to index
        %swap3A_164 = arith.constant 64 : index
        %swap3A_165 = tpu.vector_load %arg9[%swap3A_163, %swap3A_164] {strides = array<i32>} : memref<16x128xf32, #tpu.memory_space<vmem>>, vector<1x16xf32>,
        %swap3A_166 = vector.shape_cast %swap3A_165 : vector<1x16xf32> to vector<16xf32>
        %swap3A_167 = vector.shape_cast %scan3A_141#4 : vector<16xf32> to vector<1x16xf32>
        tpu.vector_store %arg9[%swap3A_163, %swap3A_164], %swap3A_167 {add = true, strides = array<i32>} : memref<16x128xf32, #tpu.memory_space<vmem>>, vector<1x16xf32>,
        %swap3A_168 = arith.index_cast %squeeze3A : i32 to index
        %swap3A_169 = arith.constant 80 : index
        %swap3A_170 = tpu.vector_load %arg9[%swap3A_168, %swap3A_169] {strides = array<i32>} : memref<16x128xf32, #tpu.memory_space<vmem>>, vector<1x16xf32>,
        %swap3A_171 = vector.shape_cast %swap3A_170 : vector<1x16xf32> to vector<16xf32>
        %swap3A_172 = vector.shape_cast %scan3A_141#5 : vector<16xf32> to vector<1x16xf32>
        tpu.vector_store %arg9[%swap3A_168, %swap3A_169], %swap3A_172 {add = true, strides = array<i32>} : memref<16x128xf32, #tpu.memory_space<vmem>>, vector<1x16xf32>,
        %swap3A_173 = arith.index_cast %squeeze3A : i32 to index
        %swap3A_174 = arith.constant 96 : index
        %swap3A_175 = tpu.vector_load %arg9[%swap3A_173, %swap3A_174] {strides = array<i32>} : memref<16x128xf32, #tpu.memory_space<vmem>>, vector<1x16xf32>,
        %swap3A_176 = vector.shape_cast %swap3A_175 : vector<1x16xf32> to vector<16xf32>
        %swap3A_177 = vector.shape_cast %scan3A_141#6 : vector<16xf32> to vector<1x16xf32>
        tpu.vector_store %arg9[%swap3A_173, %swap3A_174], %swap3A_177 {add = true, strides = array<i32>} : memref<16x128xf32, #tpu.memory_space<vmem>>, vector<1x16xf32>,
        %swap3A_178 = arith.index_cast %squeeze3A : i32 to index
        %swap3A_179 = arith.constant 112 : index
        %swap3A_180 = tpu.vector_load %arg9[%swap3A_178, %swap3A_179] {strides = array<i32>} : memref<16x128xf32, #tpu.memory_space<vmem>>, vector<1x16xf32>,
        %swap3A_181 = vector.shape_cast %swap3A_180 : vector<1x16xf32> to vector<16xf32>
        %swap3A_182 = vector.shape_cast %scan3A_141#7 : vector<16xf32> to vector<1x16xf32>
        tpu.vector_store %arg9[%swap3A_178, %swap3A_179], %swap3A_182 {add = true, strides = array<i32>} : memref<16x128xf32, #tpu.memory_space<vmem>>, vector<1x16xf32>,
      } else {
      }
      %not3A = arith.constant true
      %not3A_133 = arith.xori %eq3A_129, %not3A : i1
      %convert_element_type3A_134 = arith.extui %not3A_133 : i1 to i32
      %cond3A_135 = arith.constant 0 : i32
      %cond3A_136 = arith.cmpi ne, %convert_element_type3A_134, %cond3A_135 : i32
      scf.if %cond3A_136 {
        "tpu.region"() ({
          %run_scoped3A = tpu.sem_alloc : memref<!tpu.dma_semaphore, #tpu.memory_space<semaphore_mem>>
          %dma_start3A = arith.constant 0 : i32
          %dma_start3A_137 = arith.constant 0 : i32
          %dma_start3A_138 = tpu.memref_slice %arg8[%select_n3A_45, %dma_start3A, %dma_start3A_137] : memref<8x64x128xf32, #tpu.memory_space<vmem>> -> memref<1x64x128xf32, #tpu.memory_space<vmem>>
          %dma_start3A_139 = tpu.memref_squeeze %dma_start3A_138 : memref<1x64x128xf32, #tpu.memory_space<vmem>> -> memref<64x128xf32, #tpu.memory_space<vmem>>
          %dma_start3A_140 = arith.constant 0 : i32
          %dma_start3A_141 = tpu.memref_slice %arg7[%add3A_35, %dma_start3A_140] : memref<16x64xi32, #tpu.memory_space<vmem>> -> memref<1x64xi32, #tpu.memory_space<vmem>>
          %dma_start3A_142 = tpu.memref_squeeze %dma_start3A_141 : memref<1x64xi32, #tpu.memory_space<vmem>> -> memref<64xi32, #tpu.memory_space<vmem>>
          %dma_start3A_143 = arith.constant 0 : i32
          %dma_start3A_144 = arith.constant 0 : i32
          %dma_start3A_145 = tpu.memref_slice %arg11[%dma_start3A_143, %dma_start3A_144] : memref<16x128xf32, #tpu.memory_space<vmem_shared>> -> memref<16x128xf32, #tpu.memory_space<vmem_shared>>
          tpu.enqueue_indirect_dma source(%dma_start3A_139 : memref<64x128xf32, #tpu.memory_space<vmem>>) target(%dma_start3A_145 : memref<16x128xf32, #tpu.memory_space<vmem_shared>>) offsets(%dma_start3A_142 : memref<64xi32, #tpu.memory_space<vmem>>) semaphore(%run_scoped3A : memref<!tpu.dma_semaphore, #tpu.memory_space<semaphore_mem>>) {add = true}
          %dma_wait3A_146 = arith.constant 0 : i32
          %dma_wait3A_147 = arith.constant 0 : i32
          %dma_wait3A_148 = tpu.memref_slice %arg8[%select_n3A_45, %dma_wait3A_146, %dma_wait3A_147] : memref<8x64x128xf32, #tpu.memory_space<vmem>> -> memref<1x64x128xf32, #tpu.memory_space<vmem>>
          %dma_wait3A_149 = tpu.memref_squeeze %dma_wait3A_148 : memref<1x64x128xf32, #tpu.memory_space<vmem>> -> memref<64x128xf32, #tpu.memory_space<vmem>>
          %dma_wait3A_150 = arith.constant 0 : i32
          %dma_wait3A_151 = tpu.memref_slice %arg7[%add3A_35, %dma_wait3A_150] : memref<16x64xi32, #tpu.memory_space<vmem>> -> memref<1x64xi32, #tpu.memory_space<vmem>>
          %dma_wait3A_152 = tpu.memref_squeeze %dma_wait3A_151 : memref<1x64xi32, #tpu.memory_space<vmem>> -> memref<64xi32, #tpu.memory_space<vmem>>
          %dma_wait3A_153 = arith.constant 0 : i32
          %dma_wait3A_154 = arith.constant 0 : i32
          %dma_wait3A_155 = tpu.memref_slice %arg11[%dma_wait3A_153, %dma_wait3A_154] : memref<16x128xf32, #tpu.memory_space<vmem_shared>> -> memref<16x128xf32, #tpu.memory_space<vmem_shared>>
          tpu.wait_indirect_dma semaphore(%run_scoped3A : memref<!tpu.dma_semaphore, #tpu.memory_space<semaphore_mem>>) src(%dma_wait3A_149 : memref<64x128xf32, #tpu.memory_space<vmem>>) dst(%dma_wait3A_155 : memref<16x128xf32, #tpu.memory_space<vmem_shared>>)
          tpu.yield
        }) : () -> ()
      } else {
      }
    }
    %scan3A_24 = arith.constant 16 : i32
    "tpu.region"() ({
      %run_scoped3A = tpu.sem_alloc : memref<!tpu.dma_semaphore, #tpu.memory_space<semaphore_mem>>
      %dma_start3A = arith.constant 0 : i32
      %dma_start3A_31 = arith.constant 0 : i32
      %dma_start3A_32 = tpu.memref_slice %arg11[%dma_start3A, %dma_start3A_31] : memref<16x128xf32, #tpu.memory_space<vmem_shared>> -> memref<16x128xf32, #tpu.memory_space<vmem_shared>>
      tpu.enqueue_indirect_dma source(%arg9 : memref<16x128xf32, #tpu.memory_space<vmem>>) target(%dma_start3A_32 : memref<16x128xf32, #tpu.memory_space<vmem_shared>>) offsets(%arg10 : memref<16xi32, #tpu.memory_space<vmem>>) semaphore(%run_scoped3A : memref<!tpu.dma_semaphore, #tpu.memory_space<semaphore_mem>>) {add = true}
      %dma_wait3A = arith.constant 0 : i32
      %dma_wait3A_33 = arith.constant 0 : i32
      %dma_wait3A_34 = tpu.memref_slice %arg11[%dma_wait3A, %dma_wait3A_33] : memref<16x128xf32, #tpu.memory_space<vmem_shared>> -> memref<16x128xf32, #tpu.memory_space<vmem_shared>>
      tpu.wait_indirect_dma semaphore(%run_scoped3A : memref<!tpu.dma_semaphore, #tpu.memory_space<semaphore_mem>>) src(%arg9 : memref<16x128xf32, #tpu.memory_space<vmem>>) dst(%dma_wait3A_34 : memref<16x128xf32, #tpu.memory_space<vmem_shared>>)
      tpu.yield
    }) : () -> ()
    %barrier3A_25 = arith.constant 0 : index
    tpu.barrier barrier_id(%barrier3A_25)
    %eq3A_26 = arith.constant 0 : i32
    %eq3A_27 = arith.cmpi eq, %arg1, %eq3A_26 : i32
    %convert_element_type3A_28 = arith.extui %eq3A_27 : i1 to i32
    %cond3A_29 = arith.constant 0 : i32
    %cond3A_30 = arith.cmpi ne, %convert_element_type3A_28, %cond3A_29 : i32
    scf.if %cond3A_30 {
      "tpu.region"() ({
        %run_scoped3A = tpu.sem_alloc : memref<!tpu.dma_semaphore, #tpu.memory_space<semaphore_mem>>
        %dma_start3A = arith.constant 0 : i32
        %dma_start3A_31 = arith.constant 0 : i32
        %dma_start3A_32 = tpu.memref_slice %arg5[%arg0, %dma_start3A, %dma_start3A_31] : memref<2x16x128xf32, #tpu.memory_space<hbm>> -> memref<1x16x128xf32, #tpu.memory_space<hbm>>
        %dma_start3A_33 = tpu.memref_squeeze %dma_start3A_32 : memref<1x16x128xf32, #tpu.memory_space<hbm>> -> memref<16x128xf32, #tpu.memory_space<hbm>>
        tpu.enqueue_dma source(%arg11 : memref<16x128xf32, #tpu.memory_space<vmem_shared>>) target(%dma_start3A_33 : memref<16x128xf32, #tpu.memory_space<hbm>>) target_semaphore(%run_scoped3A : memref<!tpu.dma_semaphore, #tpu.memory_space<semaphore_mem>>)
        %dma_wait3A = arith.constant 0 : i32
        %dma_wait3A_34 = arith.constant 0 : i32
        %dma_wait3A_35 = tpu.memref_slice %arg5[%arg0, %dma_wait3A, %dma_wait3A_34] : memref<2x16x128xf32, #tpu.memory_space<hbm>> -> memref<1x16x128xf32, #tpu.memory_space<hbm>>
        %dma_wait3A_36 = tpu.memref_squeeze %dma_wait3A_35 : memref<1x16x128xf32, #tpu.memory_space<hbm>> -> memref<16x128xf32, #tpu.memory_space<hbm>>
        tpu.wait_dma2 semaphore(%run_scoped3A : memref<!tpu.dma_semaphore, #tpu.memory_space<semaphore_mem>>) src(%arg11 : memref<16x128xf32, #tpu.memory_space<vmem_shared>>) dst(%dma_wait3A_36 : memref<16x128xf32, #tpu.memory_space<hbm>>)
        tpu.yield
      }) : () -> ()
    } else {
    }
    return
  }
}

</mosaic_0001>

<sc_bundles>
// kernel: kernel.3.cloned.1.call-start
scs
__scs_entry_jumppad:
0x0: {  	(pc) =	sbr.rel $0x88, $3  }
0x1: {  	(tag) =	ssettag $0x0;
	lr =	simm.s32 $0x1  }
0x2: {  	[smem:$0x3F9E] =	sst lr;
	_ =	strace $0xD0000000  }
0x3: {  	_ = 	snop  }
0x4: {  	_ = 	snop  }
0x5: {  	_ = 	snop  }
0x6: {  	_ = 	snop  }
0x7: {  	_ = 	snop  }
__scs_overlays_trampoline_lowered:
0x8: {  	[smem:$0x3FAD] =	sst s0  }
0x9: {  	[smem:$0x3FAE] =	sst s1  }
0xa: {  	[smem:$0x3FAF] =	sst s2  }
0xb: {  	[smem:$0x3FB0] =	sst s3  }
0xc: {  	[smem:$0x3FB1] =	sst s4  }
0xd: {  	[smem:$0x3FB2] =	sst s5  }
0xe: {  	[smem:$0x3FB3] =	sst s6  }
0xf: {  	[smem:$0x3FB4] =	sst s7  }
0x10: {  	[smem:$0x3FB5] =	sst s8  }
0x11: {  	[smem:$0x3FB6] =	sst s9;
	s0 =	simm.s32 @!p0 $0x0  }
0x12: {  	s1 =	sld [smem:$0x3F9C];
	s0 =	simm.s32 @p0 $0x1  }
0x13: {  	[smem:$0x3FB7] =	sst s0;
	s0 =	simm.s32 @!p1 $0x0  }
0x14: {  	s2 =	sld [smem:$0x3F9B];
	s0 =	simm.s32 @p1 $0x1  }
0x15: {  	[smem:$0x3FB8] =	sst s0;
	s0 =	simm.s32 @!p2 $0x0  }
0x16: {  	s3 =	sld [smem:$0x3FDB];
	s0 =	simm.s32 @p2 $0x1  }
0x17: {  	s4 =	simm.s32 $0x1BF5;
	[smem:$0x3FBA] =	sst s0  }
0x18: {  	s0 =	sld [smem:$0x3F9D];
	_ =	swait.ge [sflag:s4], $0x0  }
0x19: {  	s7 =	sld [smem:$0x3F9E]  }
0x1a: {  	s8 =	sadd.s32 $0xFFFFE003, lr  }
0x1b: {  	s9 =	sadd.s32 $0xFFFFFEF7, lr;
	s5 =	simm.s32 $0xFFFFFFFF;
	p2 =	slt.u32 s8, $0xFFFFF086  }
0x1c: {  	p1 =	slt.u32 s9, $0xF7A;
	s5 =	simm.s32 @!p2 $0x0  }
0x1d: {  	s5 =	simm.s32 @p1 $0x1;
	p0 =	seq.s32 s7, s2  }
0x1e: {  	s7 =	smul.u32 @!p0 $0xF7A, s2;
	p2 =	seq.s32 @!p0 s5, $0x0  }
0x1f: {  	s9 =	smul.u32 $0xF7A, s1;
	s8 =	simm.s32 @!p0 $0x1BF5;
	p2 =	por !p2, p0  }
0x20: {  	[sflag:s8] =	ssyncset.s32 @!p0 $0xFFFFF086;
	s6 =	sadd.s32 @!p0 s3, s7;
	s7 =	simm.s32 @!p0 $0x108  }
0x21: {  	s3 =	sadd.s32 s3, s9;
	s6 =	sadd.s32 @!p0 $0x88, s6;
	s7 =	simm.s32 @p2 $0x1082  }
0x22: {  	[simem:s7], [sflag:s8] =	dma.local @!p0 [hbm:s6], $0xF7A  }
0x23: {  	s9 =	sor.u32 $0xD0000000, s2;
	s6 =	simm.s32 $0x108;
	_ =	swait.ge @!p0 [sflag:s8], $0x0  }
0x24: {  	s3 =	sadd.s32 $0x88, s3;
	s6 =	simm.s32 @!p1 $0x1082;
	[sflag:s4] =	ssyncset.s32 $0xFFFFF086  }
0x25: {  	[simem:s6], [sflag:s4] =	dma.local [hbm:s3], $0xF7A  }
0x26: {  	[smem:$0x3F9E] =	sst s1;
	(tag) =	ssettag s2;
	_ =	strace s9  }
0x27: {  	s1 =	sld [smem:$0x3FAE]  }
0x28: {  	s2 =	sld [smem:$0x3FAF]  }
0x29: {  	s4 =	sld [smem:$0x3FB1]  }
0x2a: {  	p0 =	seq.s32 s5, $0x0;
	s5 =	sld [smem:$0x3FB2]  }
0x2b: {  	s6 =	sld [smem:$0x3FB3]  }
0x2c: {  	s7 =	sld [smem:$0x3FB4]  }
0x2d: {  	s3 =	simm.s32 $0x108;
	s8 =	sld [smem:$0x3FB5]  }
0x2e: {  	s3 =	simm.s32 @!p0 $0x1082;
	s9 =	sld [smem:$0x3FB6]  }
0x2f: {  	lr =	sadd.s32 s0, s3;
	s0 =	sld [smem:$0x3FAD]  }
0x30: {  	s3 =	sld [smem:$0x3FB0]  }
0x31: {  	[smem:$0x3FB9] =	sst s10  }
0x32: {  	s10 =	sld [smem:$0x3FB7];
	_ =	sdelay $0x3  }
0x33: {  	p0 =	seq.s32 s10, $0x1;
	s10 =	sld [smem:$0x3FB9];
	_ =	sdelay $0x3  }
0x34: {  	[smem:$0x3FB9] =	sst s10  }
0x35: {  	s10 =	sld [smem:$0x3FB8];
	_ =	sdelay $0x3  }
0x36: {  	p1 =	seq.s32 s10, $0x1;
	s10 =	sld [smem:$0x3FB9];
	_ =	sdelay $0x3  }
0x37: {  	[smem:$0x3FB9] =	sst s10  }
0x38: {  	s10 =	sld [smem:$0x3FBA]  }
0x39: {  	_ = 	snop;
	(pc) =	sbr.ind lr, $3  }
0x3a: {  	_ = 	snop  }
0x3b: {  	_ = 	snop  }
0x3c: {  	p2 =	seq.s32 s10, $0x1;
	s10 =	sld [smem:$0x3FB9]  }
0x3d: {  	_ =	shalt  }
0x3e: {  	_ =	shalt  }
0x3f: {  	_ =	shalt  }
0x40: {  	_ =	shalt  }
0x41: {  	_ =	shalt  }
0x42: {  	_ =	shalt  }
0x43: {  	_ =	shalt  }
0x44: {  	_ =	shalt  }
0x45: {  	_ =	shalt  }
0x46: {  	_ =	shalt  }
0x47: {  	_ =	shalt  }
0x48: {  	_ =	shalt  }
0x49: {  	_ =	shalt  }
0x4a: {  	_ =	shalt  }
0x4b: {  	_ =	shalt  }
0x4c: {  	_ =	shalt  }
0x4d: {  	_ =	shalt  }
0x4e: {  	_ =	shalt  }
0x4f: {  	_ =	shalt  }
0x50: {  	_ =	shalt  }
0x51: {  	_ =	shalt  }
0x52: {  	_ =	shalt  }
0x53: {  	_ =	shalt  }
0x54: {  	_ =	shalt  }
0x55: {  	_ =	shalt  }
0x56: {  	_ =	shalt  }
0x57: {  	_ =	shalt  }
0x58: {  	_ =	shalt  }
0x59: {  	_ =	shalt  }
0x5a: {  	_ =	shalt  }
0x5b: {  	_ =	shalt  }
0x5c: {  	_ =	shalt  }
0x5d: {  	_ =	shalt  }
0x5e: {  	_ =	shalt  }
0x5f: {  	_ =	shalt  }
0x60: {  	_ =	shalt  }
0x61: {  	_ =	shalt  }
0x62: {  	_ =	shalt  }
0x63: {  	_ =	shalt  }
0x64: {  	_ =	shalt  }
0x65: {  	_ =	shalt  }
0x66: {  	_ =	shalt  }
0x67: {  	_ =	shalt  }
0x68: {  	_ =	shalt  }
0x69: {  	_ =	shalt  }
0x6a: {  	_ =	shalt  }
0x6b: {  	_ =	shalt  }
0x6c: {  	_ =	shalt  }
0x6d: {  	_ =	shalt  }
0x6e: {  	_ =	shalt  }
0x6f: {  	_ =	shalt  }
0x70: {  	_ =	shalt  }
0x71: {  	_ =	shalt  }
0x72: {  	_ =	shalt  }
0x73: {  	_ =	shalt  }
0x74: {  	_ =	shalt  }
0x75: {  	_ =	shalt  }
0x76: {  	_ =	shalt  }
0x77: {  	_ =	shalt  }
0x78: {  	_ =	shalt  }
0x79: {  	_ =	shalt  }
0x7a: {  	_ =	shalt  }
0x7b: {  	_ =	shalt  }
0x7c: {  	_ =	shalt  }
0x7d: {  	_ =	shalt  }
0x7e: {  	_ =	shalt  }
0x7f: {  	_ =	shalt  }
0x80: {  	_ =	shalt  }
0x81: {  	_ =	shalt  }
0x82: {  	_ =	shalt  }
0x83: {  	_ =	shalt  }
0x84: {  	_ =	shalt  }
0x85: {  	_ =	shalt  }
0x86: {  	_ =	shalt  }
0x87: {  	_ =	shalt  }
.Lfunc_end0:
.L_simem_size_0:
called_computation_lowered:
.L_overlay_start_0:
0x88: {  	s2 =	sld [smem:$0x3FD9]  }
0x89: {  	s3 =	sld [smem:$0x3FFE];
	_ =	sdelay $0x1  }
0x8a: {  	s1 =	srdreg.scid  }
0x8b: {  	s0 =	sand.u32 $0x1, s1  }
0x8c: {  	s17 =	sshll.u32 s0, $0xA;
	s2 =	sadd.s32 s3, s2  }
0x8d: {  	s2 =	sadd.s32 s2, s17  }
0x8e: {  	[smem:$0x3FC5] =	sst s2  }
0x8f: {  	_ = 	snop  }
0x90: {  	s2 =	sld [smem:$0x3FC9]  }
0x91: {  	s18 =	sld [smem:$0x3FC8];
	(tm) =	ssettm $0x1  }
0x92: {  	s4 =	sld [smem:$0x3FFB];
	_ =	sdelay $0x3  }
0x93: {  	_ =	strace s4  }
0x94: {  	s4 =	sld [smem:$0x3FFC];
	_ =	sdelay $0x3  }
0x95: {  	_ =	strace s4  }
0x96: {  	s4 =	sld [smem:$0x3FFD];
	_ =	sdelay $0x3  }
0x97: {  	_ =	strace s4  }
0x98: {  	_ =	strace $0x8FFFFFFF  }
0x99: {  	s19 =	sld [smem:$0x3FDB];
	_ =	sdelay $0x1  }
0x9a: {  	s5 =	simm.s32 $_scs_section_size  }
0x9b: {  	s6 =	simm.s32 $_size__tile_overlayer_lowered;
	s7 =	simm.s32 $_tile_overlayer_lowered  }
0x9c: {  	s22 =	simm.s32 $0x1BFF;
	s21 =	sshll.u32 s7, $0x1;
	s4 =	sadd.s32 s5, s19  }
0x9d: {  	s8 =	simm.s32 $0x0;
	s20 =	sshll.u32 s6, $0x1;
	s6 =	sadd.s32 s21, s4  }
0x9e: {  	[timem:s8], [sflag:s22] =	dma.local [hbm:s6], s20  }
0x9f: {  	_ =	swait.ge [sflag:s22], s20  }
0xa0: {  	s5 =	ssub.s32 $0x0, s20;
	[sflag:s22] =	ssyncset.done $0x0  }
0xa1: {  	[sflag:s22] =	ssyncadd.s32 s5;
	_ =	sdelay $0x1  }
0xa2: {  	s23 =	simm.s32 $0x1B8B  }
0xa3: {  	_ =	swait.ge [sflag:s23], $0x1  }
0xa4: {  	[sflag:s23] =	ssyncset.done $0x0  }
0xa5: {  	s25 =	simm.s32 $0x1B8E;
	s24 =	sld [smem:$0x3FFE];
	[sflag:s23] =	ssyncadd.s32 $0xFFFFFFFF  }
0xa6: {  	s26 =	simm.s32 $execute0_lowered;
	[smem:$0x3FD2] =	sst s25  }
0xa7: {  	s6 =	sshll.u32 s26, $0x1;
	_ =	strace $0x80000046;
	[dreg:$0x1] =	wrdreg $0xFFFFFFFF  }
0xa8: {  	s28 =	simm.s32 $_size_execute0_lowered;
	s4 =	sadd.s32 s4, s6;
	[dreg:$0x0] =	wrdreg $0x0  }
0xa9: {  	s6 =	sshll.u32 s28, $0x1;
	[dreg:$0x2] =	wrdreg s4  }
0xaa: {  	[dreg:$0x3] =	wrdreg s6  }
0xab: {  	[dreg:$0x4] =	wrdreg $0xC0  }
0xac: {  	_ =	task [dreg:s8], $0x5FFFF  }
0xad: {  	[dreg:$0x1] =	wrdreg $0xFFFFFFFF  }
0xae: {  	[dreg:$0x0] =	wrdreg $0x60  }
0xaf: {  	[dreg:$0x2] =	wrdreg s2  }
0xb0: {  	[dreg:$0x3] =	wrdreg s18  }
0xb1: {  	[dreg:$0x4] =	wrdreg s24  }
0xb2: {  	[dreg:$0x5] =	wrdreg $0x114800  }
0xb3: {  	[dreg:$0x6] =	wrdreg $0x9  }
0xb4: {  	_ =	task.clear_ibuf [dreg:s8], $0x7FFFF;
	_ =	strace $0x90000046  }
0xb5: {  	s29 =	simm.s32 $0x9;
	_ =	strace $0x80000048  }
0xb6: {  	_ =	swait.ge [sflag:s29], $0x1  }
0xb7: {  	[sflag:s29] =	ssyncadd.s32 $0xFFFFFFFF  }
0xb8: {  	_ =	strace $0x90000048  }
0xb9: {  	_ =	sfence  }
0xba: {  	s30 =	sld [smem:$0x0];
	_ =	sdelay $0x2  }
0xbb: {  	s31 =	sshll.u32 s1, $0xD;
	s1 =	sshrl.u32 s1, $0x2  }
0xbc: {  	s3 =	sand.u32 $0x4000, s31;
	s1 =	sadd.s32 s1, s30  }
0xbd: {  	s0 =	sor.u32 s3, s0;
	s1 =	sshll.u32 s1, $0x11  }
0xbe: {  	s0 =	sor.u32 s1, s0  }
0xbf: {  	s0 =	sadd.s32 $0x8F2B, s0  }
0xc0: {  	[sflag:s0] =	ssyncadd.remote.s32 $0x1  }
0xc1: {  	_ =	sfence.sel $0xFFFF  }
0xc2: {  	[dreg:$0x0] =	wrdreg $0xFFFFFFFF;
	(pc) =	sbr.abs _section_cstart, $3  }
0xc3: {  	[dreg:$0x1] =	wrdreg $0xFFFFFFFF  }
0xc4: {  	_ =	task.clear_ibuf [dreg:s8], $0x2FFFF;
	_ =	strace $0x9FFFFFFF  }
0xc5: {  	(tm) =	ssettm $0x7FFFFFFF  }
tec
execute0_lowered:
.L_overlay_start_1:
0x0: {  	(tag) =	ssettag $0x1  }
0x1: {  	s1 =	rddreg [dreg:$0x0]  }
0x2: {  	s0 =	rddreg [dreg:$0x1]  }
0x3: {  	s5 =	rddreg [dreg:$0x2]  }
0x4: {  	s2 =	rddreg [dreg:$0x3];
	s3 =	simm.s32 $0x0;
	s4 =	srdreg.scid  }
0x5: {  	s23 =	stileid.u32;
	s12 =	simm.s32 $0x80;
	s13 =	simm.s32 $0x4C00  }
0x6: {  	s14 =	simm.s32 $0xC0;
	s15 =	simm.s32 $0x6C00;
	s16 =	simm.s32 $0x100  }
0x7: {  	s17 =	simm.s32 $0x8C00;
	s18 =	simm.s32 $0x140;
	s19 =	simm.s32 $0xAC00  }
0x8: {  	s20 =	simm.s32 $0x180;
	s21 =	simm.s32 $0xCC00;
	s22 =	simm.s32 $0x400  }
0x9: {  	s24 =	simm.s32 $0x11400;
	s25 =	simm.s32 $0x10C00;
	s26 =	simm.s32 $0x0  }
0xa: {  	[smem:$0x7FF] =	sst s3;
	s4 =	sand.u32 $0x1, s4;
	s8 =	sshll.u32 s23, $0x1  }
0xb: {  	p0 =	sne.s32 s23, $0x0;
	s23 =	simm.s32 $0x10;
	_ =	strace $0x80000047  }
.Ltmp0:
0xc: {  	s6 =	sshll.u32 s4, $0x8;
	s7 =	ssub.s32 $0x2, s4;
	(pc) =	sbr.rel .LBB2_1-.Ltmp0, $4  }
0xd: {  	s4 =	sor.u32 s4, s8;
	s6 =	sadd.s32 s6, s5;
	s9 =	sshrl.u32 s7, $0x1  }
0xe: {  	s8 =	sshll.u32 s4, $0x7;
	s31 =	sshll.u32 s4, $0x8;
	s7 =	ssub.s32 s7, s9  }
0xf: {  	s4 =	sadd.s32 s0, s8;
	s5 =	sadd.s32 s5, s31;
	s6 =	sadd.s32 $0x2000, s6  }
0x10: {  	v0 =	vlaneseq.u32;
	v1 =	vimm.f32 $0.0e+00;
	s8 =	simm.s32 $0x9;
	s9 =	simm.s32 $0x40;
	s7 =	smax.u32 s7, $0x1  }
.LBB2_10:
0x11: {  	[spmem:s2] =	stream.indirect.scatter.add.f32 [tilespmem:s25], [sflag:$0x9], $0x80, s24, s23, $0xb8;
	[tilespmem:$0x11500] =	vst v63  }
0x12: {  	_ =	swait.ge [sflag:s8], $0x800  }
0x13: {  	[sflag:s8] =	ssyncset.done $0x0  }
0x14: {  	s0 =	sshrl.u32 @!p0 s2, $0x3;
	s26 =	sadd.s32 $0x1, s26;
	[sflag:s8] =	ssyncadd.s32 $0xFFFFF800  }
0x15: {  	s10 =	simm.s32 @!p0 $0x1C09;
	p1 =	sne.s32 s26, s7;
	[bflag:$0x0] =	sbarrier.arrive $0xFFFF  }
0x16: {  	[hbm:s6], [sflag:s10] =	dma.local @!p0 [spmem:s0], $0x100  }
.Ltmp1:
0x17: {  	_ = 	snop;
	(pc) =	sbr.rel @!p1 .LBB2_11-.Ltmp1, $4  }
0x18: {  	s0 =	simm.s32 @!p0 $0x9  }
0x19: {  	_ =	swait.ge @!p0 [sflag:s0], $0x100  }
0x1a: {  	[sflag:s0] =	ssyncset.done @!p0 $0x0  }
0x1b: {  	[sflag:s0] =	ssyncadd.s32 @!p0 $0xFFFFFF00  }
.LBB2_1:
0x1c: {  	[tilespmem:s3], [sflag:$0x9] =	stream.linear.gather [hbm4b:s4+s3], $0x400, $0x38;
	[tilespmem:$0x11500] =	vst v63  }
0x1d: {  	_ =	swait.ge [sflag:s8], $0x400  }
0x1e: {  	[sflag:s8] =	ssyncset.done $0x0  }
0x1f: {  	s0 =	simm.s32 $0xC00;
	[sflag:s8] =	ssyncadd.s32 $0xFFFFFC00  }
0x20: {  	[tilespmem:s0], [sflag:$0x1] =	stream.indirect.gather [hbm4b:s1+s9], $0x80, s3, s9, $0xb8;
	[tilespmem:$0x11500] =	vst v63  }
0x21: {  	s31 =	simm.s32 $0x2C00  }
0x22: {  	[tilespmem:s31], [sflag:$0x2] =	stream.indirect.gather [hbm4b:s1+s9], $0x80, s9, s9, $0xb8;
	[tilespmem:$0x11500] =	vst v63  }
0x23: {  	_ = 	snop  }
0x24: {  	[tilespmem:s13], [sflag:$0x3] =	stream.indirect.gather [hbm4b:s1+s9], $0x80, s12, s9, $0xb8;
	[tilespmem:$0x11500] =	vst v63  }
0x25: {  	_ = 	snop  }
0x26: {  	[tilespmem:s15], [sflag:$0x4] =	stream.indirect.gather [hbm4b:s1+s9], $0x80, s14, s9, $0xb8;
	[tilespmem:$0x11500] =	vst v63  }
0x27: {  	_ = 	snop  }
0x28: {  	[tilespmem:s17], [sflag:$0x5] =	stream.indirect.gather [hbm4b:s1+s9], $0x80, s16, s9, $0xb8;
	[tilespmem:$0x11500] =	vst v63  }
0x29: {  	_ = 	snop  }
0x2a: {  	[tilespmem:s19], [sflag:$0x6] =	stream.indirect.gather [hbm4b:s1+s9], $0x80, s18, s9, $0xb8;
	[tilespmem:$0x11500] =	vst v63  }
0x2b: {  	_ = 	snop  }
0x2c: {  	[tilespmem:s21], [sflag:$0x7] =	stream.indirect.gather [hbm4b:s1+s9], $0x80, s20, s9, $0xb8;
	[tilespmem:$0x11500] =	vst v63  }
0x2d: {  	_ = 	snop  }
0x2e: {  	[tilespmem:s22], [sflag:$0x9] =	stream.linear.gather [hbm4b:s5+s3], $0x800, $0x38;
	[tilespmem:$0x11500] =	vst v63  }
0x2f: {  	_ =	swait.ge [sflag:s8], $0x800  }
0x30: {  	[sflag:s8] =	ssyncset.done $0x0  }
0x31: {  	[sflag:s8] =	ssyncadd.s32 $0xFFFFF800  }
0x32: {  	s28 =	simm.s32 $0x200;
	s0 =	simm.s32 $0x0;
	[tilespmem:$0x11400] =	vst v0  }
.LBB2_2:
0x33: {  	p1 =	sne.s32 s28, $0x1E00;
	[tilespmem:s0+$0x10C70] =	vst v1  }
0x34: {  	[tilespmem:s0+$0x10C00] =	vst v1  }
0x35: {  	[tilespmem:s0+$0x10C10] =	vst v1  }
.Ltmp2:
0x36: {  	[tilespmem:s0+$0x10C20] =	vst v1;
	(pc) =	sbr.rel @p1 .LBB2_2-.Ltmp2, $4  }
0x37: {  	[tilespmem:s0+$0x10C30] =	vst v1  }
0x38: {  	[tilespmem:s0+$0x10C40] =	vst v1  }
0x39: {  	[tilespmem:s0+$0x10C50] =	vst v1  }
0x3a: {  	[tilespmem:s0+$0x10C60] =	vst v1;
	s0 =	sshra.s32 s28, $0x2;
	s28 =	sadd.s32 $0x200, s28  }
0x3b: {  	[tilespmem:s0+$0x10C70] =	vst v1  }
0x3c: {  	[tilespmem:s0+$0x10C00] =	vst v1  }
0x3d: {  	[tilespmem:s0+$0x10C10] =	vst v1  }
0x3e: {  	[tilespmem:s0+$0x10C20] =	vst v1  }
0x3f: {  	[tilespmem:s0+$0x10C30] =	vst v1  }
0x40: {  	[tilespmem:s0+$0x10C40] =	vst v1  }
0x41: {  	[tilespmem:s0+$0x10C50] =	vst v1  }
0x42: {  	[tilespmem:s0+$0x10C60] =	vst v1;
	s0 =	simm.s32 @!p0 $0x10C00  }
0x43: {  	[spmem:s2] =	stream.linear.scatter @!p0 [tilespmem:s0], [sflag:$0x9], $0x800, $0x38;
	[tilespmem:$0x11500] =	vst v63  }
0x44: {  	s0 =	simm.s32 @!p0 $0x9  }
.Ltmp3:
0x45: {  	_ =	swait.ge @!p0 [sflag:s0], $0x800;
	(pc) =	sbr.rel .LBB2_4-.Ltmp3, $4  }
0x46: {  	[sflag:s0] =	ssyncset.done @!p0 $0x0  }
0x47: {  	[sflag:s0] =	ssyncadd.s32 @!p0 $0xFFFFF800  }
0x48: {  	[bflag:$0x0] =	sbarrier.arrive $0xFFFF  }
0x49: {  	s28 =	simm.s32 $0x0;
	s29 =	simm.s32 $0x0  }
.LBB2_8:
0x4a: {  	s0 =	sshll.u32 s0, $0xD  }
0x4b: {  	s10 =	sadd.s32 $0x400, s31;
	s0 =	sor.u32 $0xC00, s0  }
0x4c: {  	[spmem:s2] =	stream.indirect.scatter.add.f32 [tilespmem:s0], [sflag:$0x9], $0x80, s10, s9, $0xb8;
	[tilespmem:$0x11500] =	vst v63  }
0x4d: {  	_ =	swait.ge [sflag:s8], $0x2000  }
0x4e: {  	[sflag:s8] =	ssyncset.done $0x0  }
0x4f: {  	[sflag:s8] =	ssyncadd.s32 $0xFFFFE000  }
.LBB2_9:
0x50: {  	s29 =	sadd.s32 $0x1, s29  }
0x51: {  	p1 =	sne.s32 s29, $0x10  }
.Ltmp4:
0x52: {  	_ = 	snop;
	(pc) =	sbr.rel @!p1 .LBB2_10-.Ltmp4, $2  }
0x53: {  	_ =	sdelay $0x2  }
0x54: {  	s28 =	sadd.s32 $0x1, s28  }
.LBB2_4:
0x55: {  	p1 =	sgt.u32 s29, $0x8  }
0x56: {  	s30 =	sadd.s32 @!p1 $0x7, s29  }
0x57: {  	s0 =	sand.u32 $0x7, s29;
	s31 =	sand.u32 @!p1 $0x7, s30  }
0x58: {  	s11 =	simm.s32 @!p1 $0x40;
	s30 =	sshll.u32 @!p1 s30, $0x6;
	s10 =	sshll.u32 @!p1 s31, $0xD  }
0x59: {  	s30 =	sand.u32 @!p1 $0x7C0, s30;
	s31 =	sadd.s32 @!p1 $0x1, s31;
	s10 =	sor.u32 @!p1 $0xC00, s10  }
0x5a: {  	[tilespmem:s10], [sflag:s31] =	stream.indirect.gather @!p1 [hbm4b:s1+s11], $0x80, s30, s11, $0xb8;
	[tilespmem:$0x11500] =	vst v63  }
0x5b: {  	s10 =	sadd.s32 $0x1, s0  }
0x5c: {  	_ =	swait.ge [sflag:s10], $0x2000  }
0x5d: {  	s11 =	sshll.u32 s29, $0x7;
	[sflag:s10] =	ssyncset.done $0x0  }
0x5e: {  	s31 =	sand.u32 $0x3FFFFF80, s11;
	[sflag:s10] =	ssyncadd.s32 $0xFFFFE000  }
0x5f: {  	v2 =	vld [tilespmem:s31+$0x400]  }
0x60: {  	v3 =	vld [tilespmem:s31+$0x430];
	_ =	sdelay $0x3  }
0x61: {  	(v2sf) =	vpush v2, $0x0  }
0x62: {  	(v2sf) =	vpush v3, $0xF;
	_ =	sdelay $0xd  }
0x63: {  	s30 =	spop (v2sf)  }
0x64: {  	s11 =	spop (v2sf)  }
0x65: {  	p1 =	sne.s32 s30, s11  }
.Ltmp5:
0x66: {  	_ = 	snop;
	(pc) =	sbr.rel @p1 .LBB2_8-.Ltmp5, $1  }
0x67: {  	_ =	sdelay $0x3  }
0x68: {  	s0 =	sand.u32 $0x7, s28  }
0x69: {  	s0 =	sshll.u32 s0, $0xD  }
0x6a: {  	s0 =	sor.u32 $0xC00, s0  }
0x6b: {  	v2 =	vmov s0;
	_ =	sdelay $0x3  }
0x6c: {  	s11 =	simm.s32 $0x0  }
0x6d: {  	v3 =	vld.idx.msk [tilespmem:v2+s11+$0x70 ss:$0x1], $0xffff  }
0x6e: {  	v4 =	vld.idx.msk [tilespmem:v2+s11+$0xF0 ss:$0x1], $0xffff  }
0x6f: {  	v5 =	vld.idx.msk [tilespmem:v2+s11+$0x0 ss:$0x1], $0xffff  }
0x70: {  	v6 =	vld.idx.msk [tilespmem:v2+s11+$0x80 ss:$0x1], $0xffff  }
0x71: {  	v8 =	vld.idx.msk [tilespmem:v2+s11+$0x10 ss:$0x1], $0xffff  }
0x72: {  	v9 =	vld.idx.msk [tilespmem:v2+s11+$0x90 ss:$0x1], $0xffff  }
0x73: {  	v10 =	vld.idx.msk [tilespmem:v2+s11+$0x20 ss:$0x1], $0xffff  }
0x74: {  	v11 =	vld.idx.msk [tilespmem:v2+s11+$0xA0 ss:$0x1], $0xffff  }
0x75: {  	v17 =	vld.idx.msk [tilespmem:v2+s11+$0x30 ss:$0x1], $0xffff  }
0x76: {  	v18 =	vld.idx.msk [tilespmem:v2+s11+$0xB0 ss:$0x1], $0xffff  }
0x77: {  	v12 =	vld.idx.msk [tilespmem:v2+s11+$0x40 ss:$0x1], $0xffff  }
0x78: {  	v14 =	vld.idx.msk [tilespmem:v2+s11+$0xC0 ss:$0x1], $0xffff  }
0x79: {  	v13 =	vld.idx.msk [tilespmem:v2+s11+$0x50 ss:$0x1], $0xffff;
	v3 =	vadd.f32 v4, v3  }
0x7a: {  	v7 =	vimm.f32 $0.0e+00;
	v16 =	vld.idx.msk [tilespmem:v2+s11+$0xD0 ss:$0x1], $0xffff;
	v4 =	vadd.f32 v6, v5;
	v5 =	vadd.f32 v9, v8  }
0x7b: {  	v15 =	vld.idx.msk [tilespmem:v2+s11+$0x60 ss:$0x1], $0xffff;
	v8 =	vadd.f32 v11, v10;
	v18 =	vadd.f32 v18, v17;
	v10 =	vimm.f32 $0.0e+00  }
0x7c: {  	s31 =	simm.s32 $0x100;
	v17 =	vld.idx.msk [tilespmem:v2+s11+$0xE0 ss:$0x1], $0xffff;
	v9 =	vimm.f32 $0.0e+00;
	v3 =	vadd.f32 v3, v7;
	v6 =	vadd.f32 v4, v7  }
0x7d: {  	s0 =	simm.s32 $0x800;
	v11 =	vld.idx.msk [tilespmem:v2+s31+$0x70 ss:$0x1], $0xffff;
	v4 =	vadd.f32 v5, v7;
	v5 =	vadd.f32 v8, v7;
	v8 =	vimm.f32 $0.0e+00  }
.LBB2_6:
0x7e: {  	p1 =	sne.s32 s0, $0x7C00;
	v19 =	vld.idx.msk [tilespmem:v2+s31+$0xF0 ss:$0x1], $0xffff;
	v7 =	vadd.f32 v18, v7;
	v12 =	vadd.f32 v14, v12  }
0x7f: {  	v14 =	vld.idx.msk [tilespmem:v2+s31+$0x0 ss:$0x1], $0xffff  }
0x80: {  	v18 =	vld.idx.msk [tilespmem:v2+s31+$0x80 ss:$0x1], $0xffff;
	v10 =	vadd.f32 v12, v10;
	v12 =	vadd.f32 v16, v13  }
0x81: {  	v13 =	vld.idx.msk [tilespmem:v2+s31+$0x10 ss:$0x1], $0xffff  }
0x82: {  	v16 =	vld.idx.msk [tilespmem:v2+s31+$0x90 ss:$0x1], $0xffff;
	v9 =	vadd.f32 v12, v9;
	v12 =	vadd.f32 v17, v15  }
0x83: {  	v15 =	vld.idx.msk [tilespmem:v2+s31+$0x20 ss:$0x1], $0xffff  }
0x84: {  	v11 =	vadd.f32 v19, v11;
	v17 =	vld.idx.msk [tilespmem:v2+s31+$0xA0 ss:$0x1], $0xffff;
	v8 =	vadd.f32 v12, v8  }
0x85: {  	v19 =	vld.idx.msk [tilespmem:v2+s31+$0x30 ss:$0x1], $0xffff  }
0x86: {  	v14 =	vadd.f32 v18, v14;
	v3 =	vadd.f32 v11, v3;
	v18 =	vld.idx.msk [tilespmem:v2+s31+$0xB0 ss:$0x1], $0xffff  }
0x87: {  	v12 =	vld.idx.msk [tilespmem:v2+s31+$0x40 ss:$0x1], $0xffff  }
0x88: {  	v6 =	vadd.f32 v14, v6;
	v11 =	vadd.f32 v16, v13;
	v14 =	vld.idx.msk [tilespmem:v2+s31+$0xC0 ss:$0x1], $0xffff  }
.Ltmp6:
0x89: {  	v13 =	vld.idx.msk [tilespmem:v2+s31+$0x50 ss:$0x1], $0xffff;
	(pc) =	sbr.rel @p1 .LBB2_6-.Ltmp6, $4  }
0x8a: {  	v4 =	vadd.f32 v11, v4;
	v11 =	vadd.f32 v17, v15;
	v16 =	vld.idx.msk [tilespmem:v2+s31+$0xD0 ss:$0x1], $0xffff  }
0x8b: {  	v15 =	vld.idx.msk [tilespmem:v2+s31+$0x60 ss:$0x1], $0xffff  }
0x8c: {  	v5 =	vadd.f32 v11, v5;
	v18 =	vadd.f32 v18, v19;
	v17 =	vld.idx.msk [tilespmem:v2+s31+$0xE0 ss:$0x1], $0xffff;
	s31 =	sshra.s32 s0, $0x2  }
0x8d: {  	s0 =	sadd.s32 $0x400, s0;
	v11 =	vld.idx.msk [tilespmem:v2+s31+$0x70 ss:$0x1], $0xffff  }
0x8e: {  	_ =	sdelay $0x3  }
0x8f: {  	v19 =	vld.idx.msk [tilespmem:v2+s31+$0x0 ss:$0x1], $0xffff  }
0x90: {  	v20 =	vld.idx.msk [tilespmem:v2+s31+$0x80 ss:$0x1], $0xffff  }
0x91: {  	v21 =	vld.idx.msk [tilespmem:v2+s31+$0x10 ss:$0x1], $0xffff  }
0x92: {  	v22 =	vld.idx.msk [tilespmem:v2+s31+$0x90 ss:$0x1], $0xffff  }
0x93: {  	v23 =	vld.idx.msk [tilespmem:v2+s31+$0x20 ss:$0x1], $0xffff  }
0x94: {  	v24 =	vld.idx.msk [tilespmem:v2+s31+$0xA0 ss:$0x1], $0xffff  }
0x95: {  	v25 =	vld.idx.msk [tilespmem:v2+s31+$0x30 ss:$0x1], $0xffff  }
0x96: {  	v26 =	vld.idx.msk [tilespmem:v2+s31+$0xB0 ss:$0x1], $0xffff  }
0x97: {  	v27 =	vld.idx.msk [tilespmem:v2+s31+$0x40 ss:$0x1], $0xffff  }
0x98: {  	v12 =	vadd.f32 v14, v12;
	v47 =	vld.idx.msk [tilespmem:v2+s31+$0xC0 ss:$0x1], $0xffff  }
0x99: {  	v7 =	vadd.f32 v18, v7;
	v48 =	vld.idx.msk [tilespmem:v2+s31+$0x50 ss:$0x1], $0xffff;
	v13 =	vadd.f32 v16, v13  }
0x9a: {  	v50 =	vld.idx.msk [tilespmem:v2+s31+$0xD0 ss:$0x1], $0xffff;
	v10 =	vadd.f32 v12, v10;
	v49 =	vadd.f32 v17, v15  }
0x9b: {  	v52 =	vld.idx.msk [tilespmem:v2+s31+$0x60 ss:$0x1], $0xffff;
	v9 =	vadd.f32 v13, v9;
	v51 =	vadd.f32 v20, v19  }
0x9c: {  	v54 =	vld.idx.msk [tilespmem:v2+s31+$0xE0 ss:$0x1], $0xffff;
	v8 =	vadd.f32 v49, v8;
	v53 =	vadd.f32 v22, v21  }
0x9d: {  	v2 =	vld.idx.msk [tilespmem:v2+s31+$0xF0 ss:$0x1], $0xffff;
	s0 =	sshll.u32 s30, $0x9;
	v55 =	vadd.f32 v24, v23;
	v6 =	vadd.f32 v51, v6  }
0x9e: {  	s0 =	sshra.s32 s0, $0x2;
	v56 =	vadd.f32 v26, v25;
	v4 =	vadd.f32 v53, v4  }
0x9f: {  	v57 =	vadd.f32 v47, v27;
	v5 =	vadd.f32 v55, v5;
	[tilespmem:s0+$0x10C00] =	vst.add.f32.msk $0xffff, v6  }
0xa0: {  	v59 =	vadd.f32 v50, v48;
	v58 =	vadd.f32 v56, v7;
	[tilespmem:s0+$0x10C10] =	vst.add.f32.msk $0xffff, v4  }
0xa1: {  	v61 =	vadd.f32 v54, v52;
	v60 =	vadd.f32 v57, v10;
	[tilespmem:s0+$0x10C20] =	vst.add.f32.msk $0xffff, v5  }
.Ltmp7:
0xa2: {  	v2 =	vadd.f32 v2, v11;
	v62 =	vadd.f32 v59, v9;
	[tilespmem:s0+$0x10C30] =	vst.add.f32.msk $0xffff, v58;
	(pc) =	sbr.rel .LBB2_9-.Ltmp7, $4  }
0xa3: {  	v63 =	vadd.f32 v61, v8;
	[tilespmem:s0+$0x10C40] =	vst.add.f32.msk $0xffff, v60  }
0xa4: {  	v2 =	vadd.f32 v2, v3;
	[tilespmem:s0+$0x10C50] =	vst.add.f32.msk $0xffff, v62  }
0xa5: {  	[tilespmem:s0+$0x10C60] =	vst.add.f32.msk $0xffff, v63  }
0xa6: {  	[tilespmem:s0+$0x10C70] =	vst.add.f32.msk $0xffff, v2  }
.LBB2_11:
0xa7: {  	_ =	sfence.sel $0x180000  }
0xa8: {  	[bflag:$0x0] =	sbarrier.arrive $0xFFFF  }
0xa9: {  	_ =	strace $0x90000047  }
0xaa: {  	[bflag:$0x2] =	sbarrier.arrive $0xFFFF  }
0xab: {  	s0 =	rddreg [dreg:$0x4]  }
0xac: {  	s0 =	sadd.s32 @!p0 $0x100000, s0  }
0xad: {  	[sflag:s0] =	ssyncadd.tile.s32 @!p0 $0x1;
	_ =	shalt  }
.Lfunc_end2:
_tile_overlayer_lowered:
.L_overlay_start_2:
0xae: {  	(tag) =	ssettag $0x2  }
0xaf: {  	s0 =	rddreg [dreg:$0x0];
	s2 =	stileid.u32  }
0xb0: {  	s1 =	rddreg [dreg:$0x1];
	p0 =	sne.s32 s2, $0x0  }
0xb1: {  	s3 =	rddreg [dreg:$0x2];
	[bflag:$0x3] =	sbarrier.arrive $0xFFFF;
	s2 =	simm.s32 @!p0 $0x1C09  }
0xb2: {  	[timem:s3], [sflag:s2] =	dma.local @!p0 [hbm:s0], s1  }
0xb3: {  	s0 =	simm.s32 @!p0 $0x9  }
0xb4: {  	_ =	swait.ge @!p0 [sflag:s0], s1  }
0xb5: {  	s1 =	ssub.s32 @!p0 $0x0, s1;
	[sflag:s0] =	ssyncset.done @!p0 $0x0  }
0xb6: {  	[sflag:s0] =	ssyncadd.s32 @!p0 s1  }
0xb7: {  	[bflag:$0x3] =	sbarrier.arrive $0xFFFF  }
0xb8: {  	_ =	shalt  }

</sc_bundles>
